<compile_context>
chip_gen: v7x
topology: tpu7x:2x2x1
jax: 0.10.2.dev20260603
libtpu: 0.0.44.dev20260713+nightly
codegen_flags: <defaults>
</compile_context>

<pallas_src>
import functools

import jax
import jax.numpy as jnp
from jax import lax
from jax.experimental import pallas as pl
from jax.experimental.pallas import tpu as pltpu
from jax.experimental.pallas import tpu_sc as plsc

N = 10000
E = 320000
HALF = E // 2
D = 128
HD = D // 2

NC = 2
NS = 16
L = 16
W = 16

EDGES_PER_TILE = HALF // NS
CHUNK = 80
NCHUNK = EDGES_PER_TILE // CHUNK
CE = 80
NCHUNK_E = EDGES_PER_TILE // CE
ROWS_PAD = 10240
ROWS_PER_TILE = ROWS_PAD // NS
PIECES = ROWS_PER_TILE // CHUNK

_MESH = plsc.VectorSubcoreMesh(core_axis_name="c", subcore_axis_name="s")


def _sc_deg_kernel(dst2):

    @functools.partial(
        pl.kernel,
        out_type=jax.ShapeDtypeStruct((NC, ROWS_PAD, D), jnp.float32),
        mesh=_MESH,
        scratch_types=[
            pltpu.VMEM_SHARED((ROWS_PAD, D), jnp.float32),
            pltpu.VMEM((CHUNK,), jnp.int32),
            pltpu.VMEM((CHUNK, D), jnp.float32),
            pltpu.VMEM((CHUNK, D), jnp.float32),
        ],
    )
    def k(dst_h, deg_o, deg_sh, d_v, ones_v, zb):
        c = lax.axis_index("c")
        s = lax.axis_index("s")
        zv = jnp.zeros((L,), jnp.float32)
        ov = jnp.ones((L,), jnp.float32)

        def fill_row(e, carry0):
            for kk in range(D // L):
                zb[e, pl.ds(kk * L, L)] = zv
                ones_v[e, pl.ds(kk * L, L)] = ov
            return carry0

        lax.fori_loop(0, CHUNK, fill_row, 0)
        for piece in range(PIECES):
            r0 = s * ROWS_PER_TILE + piece * CHUNK
            pltpu.sync_copy(zb, deg_sh.at[pl.ds(r0, CHUNK)])
        plsc.subcore_barrier()

        def chunk_body(j, carry):
            off = c * HALF + s * EDGES_PER_TILE + j * CHUNK
            pltpu.sync_copy(dst_h.at[pl.ds(off, CHUNK)], d_v)
            pltpu.sync_copy(ones_v, deg_sh.at[d_v], add=True)
            return carry

        lax.fori_loop(0, NCHUNK, chunk_body, 0)
        plsc.subcore_barrier()
        for piece in range(PIECES):
            r0 = s * ROWS_PER_TILE + piece * CHUNK
            pltpu.sync_copy(deg_sh.at[pl.ds(r0, CHUNK)], zb)
            pltpu.sync_copy(zb, deg_o.at[c, pl.ds(r0, CHUNK)])

    return k(dst2)


def _sc_edge_kernel(src2, dst2, typ2, x, rel_emb):

    @functools.partial(
        pl.kernel,
        out_type=jax.ShapeDtypeStruct((NC, ROWS_PAD, D), jnp.float32),
        mesh=_MESH,
        scratch_types=[
            pltpu.VMEM_SHARED((ROWS_PAD, D), jnp.float32),
            pltpu.VMEM((CE,), jnp.int32),
            pltpu.VMEM((CE,), jnp.int32),
            pltpu.VMEM((CE,), jnp.int32),
            pltpu.VMEM((CE, D), jnp.float32),
            pltpu.VMEM((CE, D), jnp.float32),
            pltpu.SemaphoreType.DMA,
            pltpu.SemaphoreType.DMA,
        ],
    )
    def k(src_h, dst_h, typ_h, x_h, rel_h,
          agg_o, agg_sh, s_v, d_v, t_v, xb, rb, gx, gr):
        c = lax.axis_index("c")
        s = lax.axis_index("s")

        zv = jnp.zeros((L,), jnp.float32)

        def zero_row(e, carry0):
            for kk in range(D // L):
                xb[e, pl.ds(kk * L, L)] = zv
            return carry0

        lax.fori_loop(0, CE, zero_row, 0)
        for piece in range(ROWS_PER_TILE // CE):
            r0 = s * ROWS_PER_TILE + piece * CE
            pltpu.sync_copy(xb, agg_sh.at[pl.ds(r0, CE)])
        plsc.subcore_barrier()

        def rotate_buf(e, carry2):
            for kk in range(HD // L):
                re_sl = pl.ds(kk * L, L)
                im_sl = pl.ds(HD + kk * L, L)
                hre = xb[e, re_sl]
                him = xb[e, im_sl]
                rre = rb[e, re_sl]
                rim = rb[e, im_sl]
                xb[e, re_sl] = hre * rre - him * rim
                xb[e, im_sl] = hre * rim + him * rre
            return carry2

        def chunk_body(j, carry):
            off = c * HALF + s * EDGES_PER_TILE + j * CE
            pltpu.sync_copy(src_h.at[pl.ds(off, CE)], s_v)
            pltpu.sync_copy(typ_h.at[pl.ds(off, CE)], t_v)
            pltpu.sync_copy(dst_h.at[pl.ds(off, CE)], d_v)
            pltpu.async_copy(x_h.at[s_v], xb, gx)
            pltpu.async_copy(rel_h.at[t_v], rb, gr)
            pltpu.make_async_copy(x_h.at[s_v], xb, gx).wait()
            pltpu.make_async_copy(rel_h.at[t_v], rb, gr).wait()
            lax.fori_loop(0, CE, rotate_buf, 0)
            pltpu.sync_copy(xb, agg_sh.at[d_v], add=True)
            return carry

        lax.fori_loop(0, NCHUNK_E, chunk_body, 0)
        plsc.subcore_barrier()

        for piece in range(ROWS_PER_TILE // CE):
            r0 = s * ROWS_PER_TILE + piece * CE
            pltpu.sync_copy(agg_sh.at[pl.ds(r0, CE)], xb)
            pltpu.sync_copy(xb, agg_o.at[c, pl.ds(r0, CE)])

    return k(src2, dst2, typ2, x, rel_emb)


def _tc_combine_kernel(agg_in, agg_out, deg_in, deg_out, x, loop_rel2,
                       w_in, w_out, w_loop, bias2):
    BLK = 1000

    def body(ai_ref, ao_ref, di_ref, do_ref, x_ref, lr_ref,
             wi_ref, wo_ref, wl_ref, b_ref, o_ref):
        ni = 1.0 / jnp.maximum(di_ref[:, 0:1], 1.0)
        no = 1.0 / jnp.maximum(do_ref[:, 0:1], 1.0)
        a = ai_ref[...] * ni
        b = ao_ref[...] * no
        xr = x_ref[...]
        lr = lr_ref[...]
        hre, him = xr[:, :HD], xr[:, HD:]
        rre, rim = lr[:, :HD], lr[:, HD:]
        rot = jnp.concatenate([hre * rre - him * rim,
                               hre * rim + him * rre], axis=1)
        acc = (jnp.dot(a, wi_ref[...], preferred_element_type=jnp.float32)
               + jnp.dot(b, wo_ref[...], preferred_element_type=jnp.float32)
               + jnp.dot(rot, wl_ref[...], preferred_element_type=jnp.float32))
        o_ref[...] = jnp.tanh(acc * (1.0 / 3.0) + b_ref[...])

    grid = (N // BLK,)
    row_spec = pl.BlockSpec((BLK, D), lambda i: (i, 0))
    deg_spec = pl.BlockSpec((BLK, D), lambda i: (i, 0))
    full_spec = pl.BlockSpec((D, D), lambda i: (0, 0))
    vec_spec = pl.BlockSpec((1, D), lambda i: (0, 0))
    return pl.pallas_call(
        body,
        grid=grid,
        in_specs=[row_spec, row_spec, deg_spec, deg_spec, row_spec, vec_spec,
                  full_spec, full_spec, full_spec, vec_spec],
        out_specs=row_spec,
        out_shape=jax.ShapeDtypeStruct((N, D), jnp.float32),
    )(agg_in, agg_out, deg_in, deg_out, x, loop_rel2, w_in, w_out, w_loop,
      bias2)


def kernel(x, rel_emb, loop_rel, w_in, w_out, w_loop, bias, edge_index, edge_type):
    src2 = edge_index[0]
    dst2 = edge_index[1]
    typ2 = edge_type

    deg = _sc_deg_kernel(dst2)
    agg = _sc_edge_kernel(src2, dst2, typ2, x, rel_emb)

    out = _tc_combine_kernel(agg[0, :N], agg[1, :N], deg[0, :N], deg[1, :N],
                             x, loop_rel.reshape(1, D),
                             w_in, w_out, w_loop, bias.reshape(1, D))
    return out

# --- scband reference (transcript-rebuilt; emitter-appended) ---
"""Pipeline reference for scband-star-e-28252294873230 (READ-ONLY COPY).

The authoritative reference and input builder live on the scoring server;
editing this copy changes nothing except your own understanding.
"""

import jax, jax.numpy as jnp
import numpy as np

N = 10000
E = 320000
D = 128
R = 100  # base relations; edge_type in [0, 2R) (inverse edges offset by R)


def rotate(h, r):
    # CompGCN/StarE 'rotate' composition: treat embedding halves as complex re/im parts
    d = h.shape[-1] // 2
    h_re, h_im = h[..., :d], h[..., d:]
    r_re, r_im = r[..., :d], r[..., d:]
    return jnp.concatenate([h_re * r_re - h_im * r_im,
                            h_re * r_im + h_im * r_re], axis=-1)


def setup_inputs(seed: int = 0) -> dict:
    key = jax.random.key(seed)
    ks = jax.random.split(key, 9)
    edge_index = jax.random.randint(ks[0], (2, E), 0, N, dtype=jnp.int32)
    half = E // 2
    et_fwd = jax.random.randint(ks[1], (half,), 0, R, dtype=jnp.int32)
    edge_type = jnp.concatenate([et_fwd, et_fwd + R], axis=0)  # inverse edges offset by R
    scale = 1.0 / np.sqrt(D)
    x = jax.random.normal(ks[2], (N, D), dtype=jnp.float32) * scale
    rel_emb = jax.random.normal(ks[3], (2 * R, D), dtype=jnp.float32) * scale
    loop_rel = jax.random.normal(ks[4], (D,), dtype=jnp.float32) * scale
    w_in = jax.random.normal(ks[5], (D, D), dtype=jnp.float32) * scale
    w_out = jax.random.normal(ks[6], (D, D), dtype=jnp.float32) * scale
    w_loop = jax.random.normal(ks[7], (D, D), dtype=jnp.float32) * scale
    bias = jnp.zeros((D,), dtype=jnp.float32)
    return {"x": x, "rel_emb": rel_emb, "loop_rel": loop_rel,
            "w_in": w_in, "w_out": w_out, "w_loop": w_loop, "bias": bias,
            "edge_index": edge_index, "edge_type": edge_type}


def reference(x, rel_emb, loop_rel, w_in, w_out, w_loop, bias, edge_index, edge_type):
    n = x.shape[0]
    e = edge_index.shape[1]
    half = e // 2
    src, dst = edge_index[0], edge_index[1]

    def direction(s, d_idx, t, W):
        # gather node + relation embeddings per edge (SparseCore gather)
        msg = rotate(x[s], rel_emb[t]) @ W
        deg = jax.ops.segment_sum(jnp.ones_like(d_idx, dtype=jnp.float32), d_idx, num_segments=n)
        norm = 1.0 / jnp.clip(deg, 1.0)
        # scatter-add into destination nodes (SparseCore scatter)
        return jax.ops.segment_sum(msg * norm[d_idx][:, None], d_idx, num_segments=n)

    in_res = direction(src[:half], dst[:half], edge_type[:half], w_in)
    out_res = direction(src[half:], dst[half:], edge_type[half:], w_out)
    loop_res = rotate(x, loop_rel[None, :]) @ w_loop
    out = (in_res + out_res + loop_res) * (1.0 / 3.0) + bias
    out = jnp.tanh(out)
    return out

if __name__ == "__main__":
    import jax
    _d = setup_inputs()
    print(jax.jit(kernel)(*tuple(_d.values())))

</pallas_src>

<mosaic_0001>
#map = affine_map<(d0, d1) -> (0)>
#map1 = affine_map<(d0, d1) -> (0, 0)>
#map2 = affine_map<(d0, d1) -> (0, 0, 0)>
module attributes {stable_mosaic.version = 14 : i64} {
  func.func @k(%arg0: i32, %arg1: i32, %arg2: memref<320000xi32, #tpu.memory_space<hbm>>, %arg3: memref<320000xi32, #tpu.memory_space<hbm>>, %arg4: memref<320000xi32, #tpu.memory_space<hbm>>, %arg5: memref<10000x128xf32, #tpu.memory_space<hbm>>, %arg6: memref<200x128xf32, #tpu.memory_space<hbm>>, %arg7: memref<2x10240x128xf32, #tpu.memory_space<hbm>>, %arg8: memref<10240x128xf32, #tpu.memory_space<vmem_shared>>, %arg9: memref<80xi32, #tpu.memory_space<vmem>>, %arg10: memref<80xi32, #tpu.memory_space<vmem>>, %arg11: memref<80xi32, #tpu.memory_space<vmem>>, %arg12: memref<80x128xf32, #tpu.memory_space<vmem>>, %arg13: memref<80x128xf32, #tpu.memory_space<vmem>>, %arg14: memref<!tpu.dma_semaphore, #tpu.memory_space<semaphore_mem>>, %arg15: memref<!tpu.dma_semaphore, #tpu.memory_space<semaphore_mem>>) attributes {dimension_semantics = [#tpu.dimension_semantics<core_parallel>, #tpu.dimension_semantics<subcore_parallel>], iteration_bounds = array<i64: 2, 16>, scalar_prefetch = 0 : i64, scratch_operands = 8 : i64, tpu.core_type = #tpu.core_type<sc_vector_subcore>, window_params = [{transform_indices = #map}, {transform_indices = #map}, {transform_indices = #map}, {transform_indices = #map1}, {transform_indices = #map1}, {transform_indices = #map2}]} {
    %broadcast_in_dim3A = arith.constant 0.000000e+00 : f32
    %broadcast_in_dim3A_0 = vector.broadcast %broadcast_in_dim3A : f32 to vector<16xf32>
    %scan3A = arith.constant 0 : i32
    %scan3A_1 = arith.constant 0 : i32
    %scan3A_2 = arith.constant 80 : i32
    %scan3A_3 = arith.addi %scan3A_1, %scan3A_2 : i32
    %scan3A_4 = arith.constant 1 : i32
    scf.for %scan3A_75 = %scan3A_1 to %scan3A_3 step %scan3A_4  : i32 {
      %swap3A = arith.index_cast %scan3A_75 : i32 to index
      %swap3A_76 = arith.constant 0 : index
      %swap3A_77 = tpu.vector_load %arg12[%swap3A, %swap3A_76] {strides = array<i32>} : memref<80x128xf32, #tpu.memory_space<vmem>>, vector<1x16xf32>,
      %swap3A_78 = vector.shape_cast %swap3A_77 : vector<1x16xf32> to vector<16xf32>
      %swap3A_79 = vector.shape_cast %broadcast_in_dim3A_0 : vector<16xf32> to vector<1x16xf32>
      tpu.vector_store %arg12[%swap3A, %swap3A_76], %swap3A_79 {strides = array<i32>} : memref<80x128xf32, #tpu.memory_space<vmem>>, vector<1x16xf32>,
      %swap3A_80 = arith.index_cast %scan3A_75 : i32 to index
      %swap3A_81 = arith.constant 16 : index
      %swap3A_82 = tpu.vector_load %arg12[%swap3A_80, %swap3A_81] {strides = array<i32>} : memref<80x128xf32, #tpu.memory_space<vmem>>, vector<1x16xf32>,
      %swap3A_83 = vector.shape_cast %swap3A_82 : vector<1x16xf32> to vector<16xf32>
      %swap3A_84 = vector.shape_cast %broadcast_in_dim3A_0 : vector<16xf32> to vector<1x16xf32>
      tpu.vector_store %arg12[%swap3A_80, %swap3A_81], %swap3A_84 {strides = array<i32>} : memref<80x128xf32, #tpu.memory_space<vmem>>, vector<1x16xf32>,
      %swap3A_85 = arith.index_cast %scan3A_75 : i32 to index
      %swap3A_86 = arith.constant 32 : index
      %swap3A_87 = tpu.vector_load %arg12[%swap3A_85, %swap3A_86] {strides = array<i32>} : memref<80x128xf32, #tpu.memory_space<vmem>>, vector<1x16xf32>,
      %swap3A_88 = vector.shape_cast %swap3A_87 : vector<1x16xf32> to vector<16xf32>
      %swap3A_89 = vector.shape_cast %broadcast_in_dim3A_0 : vector<16xf32> to vector<1x16xf32>
      tpu.vector_store %arg12[%swap3A_85, %swap3A_86], %swap3A_89 {strides = array<i32>} : memref<80x128xf32, #tpu.memory_space<vmem>>, vector<1x16xf32>,
      %swap3A_90 = arith.index_cast %scan3A_75 : i32 to index
      %swap3A_91 = arith.constant 48 : index
      %swap3A_92 = tpu.vector_load %arg12[%swap3A_90, %swap3A_91] {strides = array<i32>} : memref<80x128xf32, #tpu.memory_space<vmem>>, vector<1x16xf32>,
      %swap3A_93 = vector.shape_cast %swap3A_92 : vector<1x16xf32> to vector<16xf32>
      %swap3A_94 = vector.shape_cast %broadcast_in_dim3A_0 : vector<16xf32> to vector<1x16xf32>
      tpu.vector_store %arg12[%swap3A_90, %swap3A_91], %swap3A_94 {strides = array<i32>} : memref<80x128xf32, #tpu.memory_space<vmem>>, vector<1x16xf32>,
      %swap3A_95 = arith.index_cast %scan3A_75 : i32 to index
      %swap3A_96 = arith.constant 64 : index
      %swap3A_97 = tpu.vector_load %arg12[%swap3A_95, %swap3A_96] {strides = array<i32>} : memref<80x128xf32, #tpu.memory_space<vmem>>, vector<1x16xf32>,
      %swap3A_98 = vector.shape_cast %swap3A_97 : vector<1x16xf32> to vector<16xf32>
      %swap3A_99 = vector.shape_cast %broadcast_in_dim3A_0 : vector<16xf32> to vector<1x16xf32>
      tpu.vector_store %arg12[%swap3A_95, %swap3A_96], %swap3A_99 {strides = array<i32>} : memref<80x128xf32, #tpu.memory_space<vmem>>, vector<1x16xf32>,
      %swap3A_100 = arith.index_cast %scan3A_75 : i32 to index
      %swap3A_101 = arith.constant 80 : index
      %swap3A_102 = tpu.vector_load %arg12[%swap3A_100, %swap3A_101] {strides = array<i32>} : memref<80x128xf32, #tpu.memory_space<vmem>>, vector<1x16xf32>,
      %swap3A_103 = vector.shape_cast %swap3A_102 : vector<1x16xf32> to vector<16xf32>
      %swap3A_104 = vector.shape_cast %broadcast_in_dim3A_0 : vector<16xf32> to vector<1x16xf32>
      tpu.vector_store %arg12[%swap3A_100, %swap3A_101], %swap3A_104 {strides = array<i32>} : memref<80x128xf32, #tpu.memory_space<vmem>>, vector<1x16xf32>,
      %swap3A_105 = arith.index_cast %scan3A_75 : i32 to index
      %swap3A_106 = arith.constant 96 : index
      %swap3A_107 = tpu.vector_load %arg12[%swap3A_105, %swap3A_106] {strides = array<i32>} : memref<80x128xf32, #tpu.memory_space<vmem>>, vector<1x16xf32>,
      %swap3A_108 = vector.shape_cast %swap3A_107 : vector<1x16xf32> to vector<16xf32>
      %swap3A_109 = vector.shape_cast %broadcast_in_dim3A_0 : vector<16xf32> to vector<1x16xf32>
      tpu.vector_store %arg12[%swap3A_105, %swap3A_106], %swap3A_109 {strides = array<i32>} : memref<80x128xf32, #tpu.memory_space<vmem>>, vector<1x16xf32>,
      %swap3A_110 = arith.index_cast %scan3A_75 : i32 to index
      %swap3A_111 = arith.constant 112 : index
      %swap3A_112 = tpu.vector_load %arg12[%swap3A_110, %swap3A_111] {strides = array<i32>} : memref<80x128xf32, #tpu.memory_space<vmem>>, vector<1x16xf32>,
      %swap3A_113 = vector.shape_cast %swap3A_112 : vector<1x16xf32> to vector<16xf32>
      %swap3A_114 = vector.shape_cast %broadcast_in_dim3A_0 : vector<16xf32> to vector<1x16xf32>
      tpu.vector_store %arg12[%swap3A_110, %swap3A_111], %swap3A_114 {strides = array<i32>} : memref<80x128xf32, #tpu.memory_space<vmem>>, vector<1x16xf32>,
    }
    %scan3A_5 = arith.constant 80 : i32
    %mul3A = arith.constant 640 : i32
    %mul3A_6 = arith.muli %arg1, %mul3A : i32
    %add3A = arith.constant 0 : i32
    %add3A_7 = arith.addi %mul3A_6, %add3A : i32
    "tpu.region"() ({
      %run_scoped3A = tpu.sem_alloc : memref<!tpu.dma_semaphore, #tpu.memory_space<semaphore_mem>>
      %dma_start3A = arith.constant 0 : i32
      %dma_start3A_75 = tpu.memref_slice %arg8[%add3A_7, %dma_start3A] : memref<10240x128xf32, #tpu.memory_space<vmem_shared>> -> memref<80x128xf32, #tpu.memory_space<vmem_shared>>
      %dma_start3A_76 = arith.constant 0 : i32
      %dma_start3A_77 = tpu.memref_slice %arg8[%add3A_7, %dma_start3A_76] : memref<10240x128xf32, #tpu.memory_space<vmem_shared>> -> memref<80x128xf32, #tpu.memory_space<vmem_shared>>
      tpu.enqueue_dma source(%arg12 : memref<80x128xf32, #tpu.memory_space<vmem>>) target(%dma_start3A_77 : memref<80x128xf32, #tpu.memory_space<vmem_shared>>) target_semaphore(%run_scoped3A : memref<!tpu.dma_semaphore, #tpu.memory_space<semaphore_mem>>)
      %dma_wait3A = arith.constant 0 : i32
      %dma_wait3A_78 = tpu.memref_slice %arg8[%add3A_7, %dma_wait3A] : memref<10240x128xf32, #tpu.memory_space<vmem_shared>> -> memref<80x128xf32, #tpu.memory_space<vmem_shared>>
      %dma_wait3A_79 = arith.constant 0 : i32
      %dma_wait3A_80 = tpu.memref_slice %arg8[%add3A_7, %dma_wait3A_79] : memref<10240x128xf32, #tpu.memory_space<vmem_shared>> -> memref<80x128xf32, #tpu.memory_space<vmem_shared>>
      tpu.wait_dma2 semaphore(%run_scoped3A : memref<!tpu.dma_semaphore, #tpu.memory_space<semaphore_mem>>) src(%arg12 : memref<80x128xf32, #tpu.memory_space<vmem>>) dst(%dma_wait3A_80 : memref<80x128xf32, #tpu.memory_space<vmem_shared>>)
      tpu.yield
    }) : () -> ()
    %mul3A_8 = arith.constant 640 : i32
    %mul3A_9 = arith.muli %arg1, %mul3A_8 : i32
    %add3A_10 = arith.constant 80 : i32
    %add3A_11 = arith.addi %mul3A_9, %add3A_10 : i32
    "tpu.region"() ({
      %run_scoped3A = tpu.sem_alloc : memref<!tpu.dma_semaphore, #tpu.memory_space<semaphore_mem>>
      %dma_start3A = arith.constant 0 : i32
      %dma_start3A_75 = tpu.memref_slice %arg8[%add3A_11, %dma_start3A] : memref<10240x128xf32, #tpu.memory_space<vmem_shared>> -> memref<80x128xf32, #tpu.memory_space<vmem_shared>>
      %dma_start3A_76 = arith.constant 0 : i32
      %dma_start3A_77 = tpu.memref_slice %arg8[%add3A_11, %dma_start3A_76] : memref<10240x128xf32, #tpu.memory_space<vmem_shared>> -> memref<80x128xf32, #tpu.memory_space<vmem_shared>>
      tpu.enqueue_dma source(%arg12 : memref<80x128xf32, #tpu.memory_space<vmem>>) target(%dma_start3A_77 : memref<80x128xf32, #tpu.memory_space<vmem_shared>>) target_semaphore(%run_scoped3A : memref<!tpu.dma_semaphore, #tpu.memory_space<semaphore_mem>>)
      %dma_wait3A = arith.constant 0 : i32
      %dma_wait3A_78 = tpu.memref_slice %arg8[%add3A_11, %dma_wait3A] : memref<10240x128xf32, #tpu.memory_space<vmem_shared>> -> memref<80x128xf32, #tpu.memory_space<vmem_shared>>
      %dma_wait3A_79 = arith.constant 0 : i32
      %dma_wait3A_80 = tpu.memref_slice %arg8[%add3A_11, %dma_wait3A_79] : memref<10240x128xf32, #tpu.memory_space<vmem_shared>> -> memref<80x128xf32, #tpu.memory_space<vmem_shared>>
      tpu.wait_dma2 semaphore(%run_scoped3A : memref<!tpu.dma_semaphore, #tpu.memory_space<semaphore_mem>>) src(%arg12 : memref<80x128xf32, #tpu.memory_space<vmem>>) dst(%dma_wait3A_80 : memref<80x128xf32, #tpu.memory_space<vmem_shared>>)
      tpu.yield
    }) : () -> ()
    %mul3A_12 = arith.constant 640 : i32
    %mul3A_13 = arith.muli %arg1, %mul3A_12 : i32
    %add3A_14 = arith.constant 160 : i32
    %add3A_15 = arith.addi %mul3A_13, %add3A_14 : i32
    "tpu.region"() ({
      %run_scoped3A = tpu.sem_alloc : memref<!tpu.dma_semaphore, #tpu.memory_space<semaphore_mem>>
      %dma_start3A = arith.constant 0 : i32
      %dma_start3A_75 = tpu.memref_slice %arg8[%add3A_15, %dma_start3A] : memref<10240x128xf32, #tpu.memory_space<vmem_shared>> -> memref<80x128xf32, #tpu.memory_space<vmem_shared>>
      %dma_start3A_76 = arith.constant 0 : i32
      %dma_start3A_77 = tpu.memref_slice %arg8[%add3A_15, %dma_start3A_76] : memref<10240x128xf32, #tpu.memory_space<vmem_shared>> -> memref<80x128xf32, #tpu.memory_space<vmem_shared>>
      tpu.enqueue_dma source(%arg12 : memref<80x128xf32, #tpu.memory_space<vmem>>) target(%dma_start3A_77 : memref<80x128xf32, #tpu.memory_space<vmem_shared>>) target_semaphore(%run_scoped3A : memref<!tpu.dma_semaphore, #tpu.memory_space<semaphore_mem>>)
      %dma_wait3A = arith.constant 0 : i32
      %dma_wait3A_78 = tpu.memref_slice %arg8[%add3A_15, %dma_wait3A] : memref<10240x128xf32, #tpu.memory_space<vmem_shared>> -> memref<80x128xf32, #tpu.memory_space<vmem_shared>>
      %dma_wait3A_79 = arith.constant 0 : i32
      %dma_wait3A_80 = tpu.memref_slice %arg8[%add3A_15, %dma_wait3A_79] : memref<10240x128xf32, #tpu.memory_space<vmem_shared>> -> memref<80x128xf32, #tpu.memory_space<vmem_shared>>
      tpu.wait_dma2 semaphore(%run_scoped3A : memref<!tpu.dma_semaphore, #tpu.memory_space<semaphore_mem>>) src(%arg12 : memref<80x128xf32, #tpu.memory_space<vmem>>) dst(%dma_wait3A_80 : memref<80x128xf32, #tpu.memory_space<vmem_shared>>)
      tpu.yield
    }) : () -> ()
    %mul3A_16 = arith.constant 640 : i32
    %mul3A_17 = arith.muli %arg1, %mul3A_16 : i32
    %add3A_18 = arith.constant 240 : i32
    %add3A_19 = arith.addi %mul3A_17, %add3A_18 : i32
    "tpu.region"() ({
      %run_scoped3A = tpu.sem_alloc : memref<!tpu.dma_semaphore, #tpu.memory_space<semaphore_mem>>
      %dma_start3A = arith.constant 0 : i32
      %dma_start3A_75 = tpu.memref_slice %arg8[%add3A_19, %dma_start3A] : memref<10240x128xf32, #tpu.memory_space<vmem_shared>> -> memref<80x128xf32, #tpu.memory_space<vmem_shared>>
      %dma_start3A_76 = arith.constant 0 : i32
      %dma_start3A_77 = tpu.memref_slice %arg8[%add3A_19, %dma_start3A_76] : memref<10240x128xf32, #tpu.memory_space<vmem_shared>> -> memref<80x128xf32, #tpu.memory_space<vmem_shared>>
      tpu.enqueue_dma source(%arg12 : memref<80x128xf32, #tpu.memory_space<vmem>>) target(%dma_start3A_77 : memref<80x128xf32, #tpu.memory_space<vmem_shared>>) target_semaphore(%run_scoped3A : memref<!tpu.dma_semaphore, #tpu.memory_space<semaphore_mem>>)
      %dma_wait3A = arith.constant 0 : i32
      %dma_wait3A_78 = tpu.memref_slice %arg8[%add3A_19, %dma_wait3A] : memref<10240x128xf32, #tpu.memory_space<vmem_shared>> -> memref<80x128xf32, #tpu.memory_space<vmem_shared>>
      %dma_wait3A_79 = arith.constant 0 : i32
      %dma_wait3A_80 = tpu.memref_slice %arg8[%add3A_19, %dma_wait3A_79] : memref<10240x128xf32, #tpu.memory_space<vmem_shared>> -> memref<80x128xf32, #tpu.memory_space<vmem_shared>>
      tpu.wait_dma2 semaphore(%run_scoped3A : memref<!tpu.dma_semaphore, #tpu.memory_space<semaphore_mem>>) src(%arg12 : memref<80x128xf32, #tpu.memory_space<vmem>>) dst(%dma_wait3A_80 : memref<80x128xf32, #tpu.memory_space<vmem_shared>>)
      tpu.yield
    }) : () -> ()
    %mul3A_20 = arith.constant 640 : i32
    %mul3A_21 = arith.muli %arg1, %mul3A_20 : i32
    %add3A_22 = arith.constant 320 : i32
    %add3A_23 = arith.addi %mul3A_21, %add3A_22 : i32
    "tpu.region"() ({
      %run_scoped3A = tpu.sem_alloc : memref<!tpu.dma_semaphore, #tpu.memory_space<semaphore_mem>>
      %dma_start3A = arith.constant 0 : i32
      %dma_start3A_75 = tpu.memref_slice %arg8[%add3A_23, %dma_start3A] : memref<10240x128xf32, #tpu.memory_space<vmem_shared>> -> memref<80x128xf32, #tpu.memory_space<vmem_shared>>
      %dma_start3A_76 = arith.constant 0 : i32
      %dma_start3A_77 = tpu.memref_slice %arg8[%add3A_23, %dma_start3A_76] : memref<10240x128xf32, #tpu.memory_space<vmem_shared>> -> memref<80x128xf32, #tpu.memory_space<vmem_shared>>
      tpu.enqueue_dma source(%arg12 : memref<80x128xf32, #tpu.memory_space<vmem>>) target(%dma_start3A_77 : memref<80x128xf32, #tpu.memory_space<vmem_shared>>) target_semaphore(%run_scoped3A : memref<!tpu.dma_semaphore, #tpu.memory_space<semaphore_mem>>)
      %dma_wait3A = arith.constant 0 : i32
      %dma_wait3A_78 = tpu.memref_slice %arg8[%add3A_23, %dma_wait3A] : memref<10240x128xf32, #tpu.memory_space<vmem_shared>> -> memref<80x128xf32, #tpu.memory_space<vmem_shared>>
      %dma_wait3A_79 = arith.constant 0 : i32
      %dma_wait3A_80 = tpu.memref_slice %arg8[%add3A_23, %dma_wait3A_79] : memref<10240x128xf32, #tpu.memory_space<vmem_shared>> -> memref<80x128xf32, #tpu.memory_space<vmem_shared>>
      tpu.wait_dma2 semaphore(%run_scoped3A : memref<!tpu.dma_semaphore, #tpu.memory_space<semaphore_mem>>) src(%arg12 : memref<80x128xf32, #tpu.memory_space<vmem>>) dst(%dma_wait3A_80 : memref<80x128xf32, #tpu.memory_space<vmem_shared>>)
      tpu.yield
    }) : () -> ()
    %mul3A_24 = arith.constant 640 : i32
    %mul3A_25 = arith.muli %arg1, %mul3A_24 : i32
    %add3A_26 = arith.constant 400 : i32
    %add3A_27 = arith.addi %mul3A_25, %add3A_26 : i32
    "tpu.region"() ({
      %run_scoped3A = tpu.sem_alloc : memref<!tpu.dma_semaphore, #tpu.memory_space<semaphore_mem>>
      %dma_start3A = arith.constant 0 : i32
      %dma_start3A_75 = tpu.memref_slice %arg8[%add3A_27, %dma_start3A] : memref<10240x128xf32, #tpu.memory_space<vmem_shared>> -> memref<80x128xf32, #tpu.memory_space<vmem_shared>>
      %dma_start3A_76 = arith.constant 0 : i32
      %dma_start3A_77 = tpu.memref_slice %arg8[%add3A_27, %dma_start3A_76] : memref<10240x128xf32, #tpu.memory_space<vmem_shared>> -> memref<80x128xf32, #tpu.memory_space<vmem_shared>>
      tpu.enqueue_dma source(%arg12 : memref<80x128xf32, #tpu.memory_space<vmem>>) target(%dma_start3A_77 : memref<80x128xf32, #tpu.memory_space<vmem_shared>>) target_semaphore(%run_scoped3A : memref<!tpu.dma_semaphore, #tpu.memory_space<semaphore_mem>>)
      %dma_wait3A = arith.constant 0 : i32
      %dma_wait3A_78 = tpu.memref_slice %arg8[%add3A_27, %dma_wait3A] : memref<10240x128xf32, #tpu.memory_space<vmem_shared>> -> memref<80x128xf32, #tpu.memory_space<vmem_shared>>
      %dma_wait3A_79 = arith.constant 0 : i32
      %dma_wait3A_80 = tpu.memref_slice %arg8[%add3A_27, %dma_wait3A_79] : memref<10240x128xf32, #tpu.memory_space<vmem_shared>> -> memref<80x128xf32, #tpu.memory_space<vmem_shared>>
      tpu.wait_dma2 semaphore(%run_scoped3A : memref<!tpu.dma_semaphore, #tpu.memory_space<semaphore_mem>>) src(%arg12 : memref<80x128xf32, #tpu.memory_space<vmem>>) dst(%dma_wait3A_80 : memref<80x128xf32, #tpu.memory_space<vmem_shared>>)
      tpu.yield
    }) : () -> ()
    %mul3A_28 = arith.constant 640 : i32
    %mul3A_29 = arith.muli %arg1, %mul3A_28 : i32
    %add3A_30 = arith.constant 480 : i32
    %add3A_31 = arith.addi %mul3A_29, %add3A_30 : i32
    "tpu.region"() ({
      %run_scoped3A = tpu.sem_alloc : memref<!tpu.dma_semaphore, #tpu.memory_space<semaphore_mem>>
      %dma_start3A = arith.constant 0 : i32
      %dma_start3A_75 = tpu.memref_slice %arg8[%add3A_31, %dma_start3A] : memref<10240x128xf32, #tpu.memory_space<vmem_shared>> -> memref<80x128xf32, #tpu.memory_space<vmem_shared>>
      %dma_start3A_76 = arith.constant 0 : i32
      %dma_start3A_77 = tpu.memref_slice %arg8[%add3A_31, %dma_start3A_76] : memref<10240x128xf32, #tpu.memory_space<vmem_shared>> -> memref<80x128xf32, #tpu.memory_space<vmem_shared>>
      tpu.enqueue_dma source(%arg12 : memref<80x128xf32, #tpu.memory_space<vmem>>) target(%dma_start3A_77 : memref<80x128xf32, #tpu.memory_space<vmem_shared>>) target_semaphore(%run_scoped3A : memref<!tpu.dma_semaphore, #tpu.memory_space<semaphore_mem>>)
      %dma_wait3A = arith.constant 0 : i32
      %dma_wait3A_78 = tpu.memref_slice %arg8[%add3A_31, %dma_wait3A] : memref<10240x128xf32, #tpu.memory_space<vmem_shared>> -> memref<80x128xf32, #tpu.memory_space<vmem_shared>>
      %dma_wait3A_79 = arith.constant 0 : i32
      %dma_wait3A_80 = tpu.memref_slice %arg8[%add3A_31, %dma_wait3A_79] : memref<10240x128xf32, #tpu.memory_space<vmem_shared>> -> memref<80x128xf32, #tpu.memory_space<vmem_shared>>
      tpu.wait_dma2 semaphore(%run_scoped3A : memref<!tpu.dma_semaphore, #tpu.memory_space<semaphore_mem>>) src(%arg12 : memref<80x128xf32, #tpu.memory_space<vmem>>) dst(%dma_wait3A_80 : memref<80x128xf32, #tpu.memory_space<vmem_shared>>)
      tpu.yield
    }) : () -> ()
    %mul3A_32 = arith.constant 640 : i32
    %mul3A_33 = arith.muli %arg1, %mul3A_32 : i32
    %add3A_34 = arith.constant 560 : i32
    %add3A_35 = arith.addi %mul3A_33, %add3A_34 : i32
    "tpu.region"() ({
      %run_scoped3A = tpu.sem_alloc : memref<!tpu.dma_semaphore, #tpu.memory_space<semaphore_mem>>
      %dma_start3A = arith.constant 0 : i32
      %dma_start3A_75 = tpu.memref_slice %arg8[%add3A_35, %dma_start3A] : memref<10240x128xf32, #tpu.memory_space<vmem_shared>> -> memref<80x128xf32, #tpu.memory_space<vmem_shared>>
      %dma_start3A_76 = arith.constant 0 : i32
      %dma_start3A_77 = tpu.memref_slice %arg8[%add3A_35, %dma_start3A_76] : memref<10240x128xf32, #tpu.memory_space<vmem_shared>> -> memref<80x128xf32, #tpu.memory_space<vmem_shared>>
      tpu.enqueue_dma source(%arg12 : memref<80x128xf32, #tpu.memory_space<vmem>>) target(%dma_start3A_77 : memref<80x128xf32, #tpu.memory_space<vmem_shared>>) target_semaphore(%run_scoped3A : memref<!tpu.dma_semaphore, #tpu.memory_space<semaphore_mem>>)
      %dma_wait3A = arith.constant 0 : i32
      %dma_wait3A_78 = tpu.memref_slice %arg8[%add3A_35, %dma_wait3A] : memref<10240x128xf32, #tpu.memory_space<vmem_shared>> -> memref<80x128xf32, #tpu.memory_space<vmem_shared>>
      %dma_wait3A_79 = arith.constant 0 : i32
      %dma_wait3A_80 = tpu.memref_slice %arg8[%add3A_35, %dma_wait3A_79] : memref<10240x128xf32, #tpu.memory_space<vmem_shared>> -> memref<80x128xf32, #tpu.memory_space<vmem_shared>>
      tpu.wait_dma2 semaphore(%run_scoped3A : memref<!tpu.dma_semaphore, #tpu.memory_space<semaphore_mem>>) src(%arg12 : memref<80x128xf32, #tpu.memory_space<vmem>>) dst(%dma_wait3A_80 : memref<80x128xf32, #tpu.memory_space<vmem_shared>>)
      tpu.yield
    }) : () -> ()
    %barrier3A = arith.constant 0 : index
    tpu.barrier barrier_id(%barrier3A)
    %scan3A_36 = arith.constant 0 : i32
    %scan3A_37 = arith.constant 0 : i32
    %scan3A_38 = arith.constant 125 : i32
    %scan3A_39 = arith.addi %scan3A_37, %scan3A_38 : i32
    %scan3A_40 = arith.constant 1 : i32
    scf.for %scan3A_75 = %scan3A_37 to %scan3A_39 step %scan3A_40  : i32 {
      %mul3A_76 = arith.constant 160000 : i32
      %mul3A_77 = arith.muli %arg0, %mul3A_76 : i32
      %mul3A_78 = arith.constant 10000 : i32
      %mul3A_79 = arith.muli %arg1, %mul3A_78 : i32
      %add3A_80 = arith.addi %mul3A_77, %mul3A_79 : i32
      %mul3A_81 = arith.constant 80 : i32
      %mul3A_82 = arith.muli %scan3A_75, %mul3A_81 : i32
      %add3A_83 = arith.addi %add3A_80, %mul3A_82 : i32
      "tpu.region"() ({
        %run_scoped3A = tpu.sem_alloc : memref<!tpu.dma_semaphore, #tpu.memory_space<semaphore_mem>>
        %dma_start3A_100 = tpu.memref_slice %arg2[%add3A_83] : memref<320000xi32, #tpu.memory_space<hbm>> -> memref<80xi32, #tpu.memory_space<hbm>>
        %dma_start3A_101 = tpu.memref_slice %arg2[%add3A_83] : memref<320000xi32, #tpu.memory_space<hbm>> -> memref<80xi32, #tpu.memory_space<hbm>>
        tpu.enqueue_dma source(%dma_start3A_101 : memref<80xi32, #tpu.memory_space<hbm>>) target(%arg9 : memref<80xi32, #tpu.memory_space<vmem>>) target_semaphore(%run_scoped3A : memref<!tpu.dma_semaphore, #tpu.memory_space<semaphore_mem>>)
        %dma_wait3A_102 = tpu.memref_slice %arg2[%add3A_83] : memref<320000xi32, #tpu.memory_space<hbm>> -> memref<80xi32, #tpu.memory_space<hbm>>
        %dma_wait3A_103 = tpu.memref_slice %arg2[%add3A_83] : memref<320000xi32, #tpu.memory_space<hbm>> -> memref<80xi32, #tpu.memory_space<hbm>>
        tpu.wait_dma2 semaphore(%run_scoped3A : memref<!tpu.dma_semaphore, #tpu.memory_space<semaphore_mem>>) src(%dma_wait3A_103 : memref<80xi32, #tpu.memory_space<hbm>>) dst(%arg9 : memref<80xi32, #tpu.memory_space<vmem>>)
        tpu.yield
      }) : () -> ()
      "tpu.region"() ({
        %run_scoped3A = tpu.sem_alloc : memref<!tpu.dma_semaphore, #tpu.memory_space<semaphore_mem>>
        %dma_start3A_100 = tpu.memref_slice %arg4[%add3A_83] : memref<320000xi32, #tpu.memory_space<hbm>> -> memref<80xi32, #tpu.memory_space<hbm>>
        %dma_start3A_101 = tpu.memref_slice %arg4[%add3A_83] : memref<320000xi32, #tpu.memory_space<hbm>> -> memref<80xi32, #tpu.memory_space<hbm>>
        tpu.enqueue_dma source(%dma_start3A_101 : memref<80xi32, #tpu.memory_space<hbm>>) target(%arg11 : memref<80xi32, #tpu.memory_space<vmem>>) target_semaphore(%run_scoped3A : memref<!tpu.dma_semaphore, #tpu.memory_space<semaphore_mem>>)
        %dma_wait3A_102 = tpu.memref_slice %arg4[%add3A_83] : memref<320000xi32, #tpu.memory_space<hbm>> -> memref<80xi32, #tpu.memory_space<hbm>>
        %dma_wait3A_103 = tpu.memref_slice %arg4[%add3A_83] : memref<320000xi32, #tpu.memory_space<hbm>> -> memref<80xi32, #tpu.memory_space<hbm>>
        tpu.wait_dma2 semaphore(%run_scoped3A : memref<!tpu.dma_semaphore, #tpu.memory_space<semaphore_mem>>) src(%dma_wait3A_103 : memref<80xi32, #tpu.memory_space<hbm>>) dst(%arg11 : memref<80xi32, #tpu.memory_space<vmem>>)
        tpu.yield
      }) : () -> ()
      "tpu.region"() ({
        %run_scoped3A = tpu.sem_alloc : memref<!tpu.dma_semaphore, #tpu.memory_space<semaphore_mem>>
        %dma_start3A_100 = tpu.memref_slice %arg3[%add3A_83] : memref<320000xi32, #tpu.memory_space<hbm>> -> memref<80xi32, #tpu.memory_space<hbm>>
        %dma_start3A_101 = tpu.memref_slice %arg3[%add3A_83] : memref<320000xi32, #tpu.memory_space<hbm>> -> memref<80xi32, #tpu.memory_space<hbm>>
        tpu.enqueue_dma source(%dma_start3A_101 : memref<80xi32, #tpu.memory_space<hbm>>) target(%arg10 : memref<80xi32, #tpu.memory_space<vmem>>) target_semaphore(%run_scoped3A : memref<!tpu.dma_semaphore, #tpu.memory_space<semaphore_mem>>)
        %dma_wait3A_102 = tpu.memref_slice %arg3[%add3A_83] : memref<320000xi32, #tpu.memory_space<hbm>> -> memref<80xi32, #tpu.memory_space<hbm>>
        %dma_wait3A_103 = tpu.memref_slice %arg3[%add3A_83] : memref<320000xi32, #tpu.memory_space<hbm>> -> memref<80xi32, #tpu.memory_space<hbm>>
        tpu.wait_dma2 semaphore(%run_scoped3A : memref<!tpu.dma_semaphore, #tpu.memory_space<semaphore_mem>>) src(%dma_wait3A_103 : memref<80xi32, #tpu.memory_space<hbm>>) dst(%arg10 : memref<80xi32, #tpu.memory_space<vmem>>)
        tpu.yield
      }) : () -> ()
      %dma_start3A = arith.constant 0 : i32
      %dma_start3A_84 = arith.constant 0 : i32
      %dma_start3A_85 = tpu.memref_slice %arg5[%dma_start3A, %dma_start3A_84] : memref<10000x128xf32, #tpu.memory_space<hbm>> -> memref<10000x128xf32, #tpu.memory_space<hbm>>
      tpu.enqueue_indirect_dma source(%dma_start3A_85 : memref<10000x128xf32, #tpu.memory_space<hbm>>) target(%arg12 : memref<80x128xf32, #tpu.memory_space<vmem>>) offsets(%arg9 : memref<80xi32, #tpu.memory_space<vmem>>) semaphore(%arg14 : memref<!tpu.dma_semaphore, #tpu.memory_space<semaphore_mem>>)
      %dma_start3A_86 = arith.constant 0 : i32
      %dma_start3A_87 = arith.constant 0 : i32
      %dma_start3A_88 = tpu.memref_slice %arg6[%dma_start3A_86, %dma_start3A_87] : memref<200x128xf32, #tpu.memory_space<hbm>> -> memref<200x128xf32, #tpu.memory_space<hbm>>
      tpu.enqueue_indirect_dma source(%dma_start3A_88 : memref<200x128xf32, #tpu.memory_space<hbm>>) target(%arg13 : memref<80x128xf32, #tpu.memory_space<vmem>>) offsets(%arg11 : memref<80xi32, #tpu.memory_space<vmem>>) semaphore(%arg15 : memref<!tpu.dma_semaphore, #tpu.memory_space<semaphore_mem>>)
      %dma_wait3A = arith.constant 0 : i32
      %dma_wait3A_89 = arith.constant 0 : i32
      %dma_wait3A_90 = tpu.memref_slice %arg5[%dma_wait3A, %dma_wait3A_89] : memref<10000x128xf32, #tpu.memory_space<hbm>> -> memref<10000x128xf32, #tpu.memory_space<hbm>>
      tpu.wait_indirect_dma semaphore(%arg14 : memref<!tpu.dma_semaphore, #tpu.memory_space<semaphore_mem>>) src(%dma_wait3A_90 : memref<10000x128xf32, #tpu.memory_space<hbm>>) dst(%arg12 : memref<80x128xf32, #tpu.memory_space<vmem>>)
      %dma_wait3A_91 = arith.constant 0 : i32
      %dma_wait3A_92 = arith.constant 0 : i32
      %dma_wait3A_93 = tpu.memref_slice %arg6[%dma_wait3A_91, %dma_wait3A_92] : memref<200x128xf32, #tpu.memory_space<hbm>> -> memref<200x128xf32, #tpu.memory_space<hbm>>
      tpu.wait_indirect_dma semaphore(%arg15 : memref<!tpu.dma_semaphore, #tpu.memory_space<semaphore_mem>>) src(%dma_wait3A_93 : memref<200x128xf32, #tpu.memory_space<hbm>>) dst(%arg13 : memref<80x128xf32, #tpu.memory_space<vmem>>)
      %scan3A_94 = arith.constant 0 : i32
      %scan3A_95 = arith.constant 0 : i32
      %scan3A_96 = arith.constant 80 : i32
      %scan3A_97 = arith.addi %scan3A_95, %scan3A_96 : i32
      %scan3A_98 = arith.constant 1 : i32
      scf.for %scan3A_100 = %scan3A_95 to %scan3A_97 step %scan3A_98  : i32 {
        %get3A = arith.index_cast %scan3A_100 : i32 to index
        %get3A_101 = arith.constant 0 : index
        %get3A_102 = tpu.vector_load %arg12[%get3A, %get3A_101] {strides = array<i32>} : memref<80x128xf32, #tpu.memory_space<vmem>>, vector<1x16xf32>,
        %get3A_103 = vector.shape_cast %get3A_102 : vector<1x16xf32> to vector<16xf32>
        %get3A_104 = arith.index_cast %scan3A_100 : i32 to index
        %get3A_105 = arith.constant 64 : index
        %get3A_106 = tpu.vector_load %arg12[%get3A_104, %get3A_105] {strides = array<i32>} : memref<80x128xf32, #tpu.memory_space<vmem>>, vector<1x16xf32>,
        %get3A_107 = vector.shape_cast %get3A_106 : vector<1x16xf32> to vector<16xf32>
        %get3A_108 = arith.index_cast %scan3A_100 : i32 to index
        %get3A_109 = arith.constant 0 : index
        %get3A_110 = tpu.vector_load %arg13[%get3A_108, %get3A_109] {strides = array<i32>} : memref<80x128xf32, #tpu.memory_space<vmem>>, vector<1x16xf32>,
        %get3A_111 = vector.shape_cast %get3A_110 : vector<1x16xf32> to vector<16xf32>
        %get3A_112 = arith.index_cast %scan3A_100 : i32 to index
        %get3A_113 = arith.constant 64 : index
        %get3A_114 = tpu.vector_load %arg13[%get3A_112, %get3A_113] {strides = array<i32>} : memref<80x128xf32, #tpu.memory_space<vmem>>, vector<1x16xf32>,
        %get3A_115 = vector.shape_cast %get3A_114 : vector<1x16xf32> to vector<16xf32>
        %mul3A_116 = arith.mulf %get3A_103, %get3A_111 : vector<16xf32>
        %mul3A_117 = arith.mulf %get3A_107, %get3A_115 : vector<16xf32>
        %sub3A = arith.subf %mul3A_116, %mul3A_117 : vector<16xf32>
        %swap3A = arith.index_cast %scan3A_100 : i32 to index
        %swap3A_118 = arith.constant 0 : index
        %swap3A_119 = tpu.vector_load %arg12[%swap3A, %swap3A_118] {strides = array<i32>} : memref<80x128xf32, #tpu.memory_space<vmem>>, vector<1x16xf32>,
        %swap3A_120 = vector.shape_cast %swap3A_119 : vector<1x16xf32> to vector<16xf32>
        %swap3A_121 = vector.shape_cast %sub3A : vector<16xf32> to vector<1x16xf32>
        tpu.vector_store %arg12[%swap3A, %swap3A_118], %swap3A_121 {strides = array<i32>} : memref<80x128xf32, #tpu.memory_space<vmem>>, vector<1x16xf32>,
        %mul3A_122 = arith.mulf %get3A_103, %get3A_115 : vector<16xf32>
        %mul3A_123 = arith.mulf %get3A_107, %get3A_111 : vector<16xf32>
        %add3A_124 = arith.addf %mul3A_122, %mul3A_123 : vector<16xf32>
        %swap3A_125 = arith.index_cast %scan3A_100 : i32 to index
        %swap3A_126 = arith.constant 64 : index
        %swap3A_127 = tpu.vector_load %arg12[%swap3A_125, %swap3A_126] {strides = array<i32>} : memref<80x128xf32, #tpu.memory_space<vmem>>, vector<1x16xf32>,
        %swap3A_128 = vector.shape_cast %swap3A_127 : vector<1x16xf32> to vector<16xf32>
        %swap3A_129 = vector.shape_cast %add3A_124 : vector<16xf32> to vector<1x16xf32>
        tpu.vector_store %arg12[%swap3A_125, %swap3A_126], %swap3A_129 {strides = array<i32>} : memref<80x128xf32, #tpu.memory_space<vmem>>, vector<1x16xf32>,
        %get3A_130 = arith.index_cast %scan3A_100 : i32 to index
        %get3A_131 = arith.constant 16 : index
        %get3A_132 = tpu.vector_load %arg12[%get3A_130, %get3A_131] {strides = array<i32>} : memref<80x128xf32, #tpu.memory_space<vmem>>, vector<1x16xf32>,
        %get3A_133 = vector.shape_cast %get3A_132 : vector<1x16xf32> to vector<16xf32>
        %get3A_134 = arith.index_cast %scan3A_100 : i32 to index
        %get3A_135 = arith.constant 80 : index
        %get3A_136 = tpu.vector_load %arg12[%get3A_134, %get3A_135] {strides = array<i32>} : memref<80x128xf32, #tpu.memory_space<vmem>>, vector<1x16xf32>,
        %get3A_137 = vector.shape_cast %get3A_136 : vector<1x16xf32> to vector<16xf32>
        %get3A_138 = arith.index_cast %scan3A_100 : i32 to index
        %get3A_139 = arith.constant 16 : index
        %get3A_140 = tpu.vector_load %arg13[%get3A_138, %get3A_139] {strides = array<i32>} : memref<80x128xf32, #tpu.memory_space<vmem>>, vector<1x16xf32>,
        %get3A_141 = vector.shape_cast %get3A_140 : vector<1x16xf32> to vector<16xf32>
        %get3A_142 = arith.index_cast %scan3A_100 : i32 to index
        %get3A_143 = arith.constant 80 : index
        %get3A_144 = tpu.vector_load %arg13[%get3A_142, %get3A_143] {strides = array<i32>} : memref<80x128xf32, #tpu.memory_space<vmem>>, vector<1x16xf32>,
        %get3A_145 = vector.shape_cast %get3A_144 : vector<1x16xf32> to vector<16xf32>
        %mul3A_146 = arith.mulf %get3A_133, %get3A_141 : vector<16xf32>
        %mul3A_147 = arith.mulf %get3A_137, %get3A_145 : vector<16xf32>
        %sub3A_148 = arith.subf %mul3A_146, %mul3A_147 : vector<16xf32>
        %swap3A_149 = arith.index_cast %scan3A_100 : i32 to index
        %swap3A_150 = arith.constant 16 : index
        %swap3A_151 = tpu.vector_load %arg12[%swap3A_149, %swap3A_150] {strides = array<i32>} : memref<80x128xf32, #tpu.memory_space<vmem>>, vector<1x16xf32>,
        %swap3A_152 = vector.shape_cast %swap3A_151 : vector<1x16xf32> to vector<16xf32>
        %swap3A_153 = vector.shape_cast %sub3A_148 : vector<16xf32> to vector<1x16xf32>
        tpu.vector_store %arg12[%swap3A_149, %swap3A_150], %swap3A_153 {strides = array<i32>} : memref<80x128xf32, #tpu.memory_space<vmem>>, vector<1x16xf32>,
        %mul3A_154 = arith.mulf %get3A_133, %get3A_145 : vector<16xf32>
        %mul3A_155 = arith.mulf %get3A_137, %get3A_141 : vector<16xf32>
        %add3A_156 = arith.addf %mul3A_154, %mul3A_155 : vector<16xf32>
        %swap3A_157 = arith.index_cast %scan3A_100 : i32 to index
        %swap3A_158 = arith.constant 80 : index
        %swap3A_159 = tpu.vector_load %arg12[%swap3A_157, %swap3A_158] {strides = array<i32>} : memref<80x128xf32, #tpu.memory_space<vmem>>, vector<1x16xf32>,
        %swap3A_160 = vector.shape_cast %swap3A_159 : vector<1x16xf32> to vector<16xf32>
        %swap3A_161 = vector.shape_cast %add3A_156 : vector<16xf32> to vector<1x16xf32>
        tpu.vector_store %arg12[%swap3A_157, %swap3A_158], %swap3A_161 {strides = array<i32>} : memref<80x128xf32, #tpu.memory_space<vmem>>, vector<1x16xf32>,
        %get3A_162 = arith.index_cast %scan3A_100 : i32 to index
        %get3A_163 = arith.constant 32 : index
        %get3A_164 = tpu.vector_load %arg12[%get3A_162, %get3A_163] {strides = array<i32>} : memref<80x128xf32, #tpu.memory_space<vmem>>, vector<1x16xf32>,
        %get3A_165 = vector.shape_cast %get3A_164 : vector<1x16xf32> to vector<16xf32>
        %get3A_166 = arith.index_cast %scan3A_100 : i32 to index
        %get3A_167 = arith.constant 96 : index
        %get3A_168 = tpu.vector_load %arg12[%get3A_166, %get3A_167] {strides = array<i32>} : memref<80x128xf32, #tpu.memory_space<vmem>>, vector<1x16xf32>,
        %get3A_169 = vector.shape_cast %get3A_168 : vector<1x16xf32> to vector<16xf32>
        %get3A_170 = arith.index_cast %scan3A_100 : i32 to index
        %get3A_171 = arith.constant 32 : index
        %get3A_172 = tpu.vector_load %arg13[%get3A_170, %get3A_171] {strides = array<i32>} : memref<80x128xf32, #tpu.memory_space<vmem>>, vector<1x16xf32>,
        %get3A_173 = vector.shape_cast %get3A_172 : vector<1x16xf32> to vector<16xf32>
        %get3A_174 = arith.index_cast %scan3A_100 : i32 to index
        %get3A_175 = arith.constant 96 : index
        %get3A_176 = tpu.vector_load %arg13[%get3A_174, %get3A_175] {strides = array<i32>} : memref<80x128xf32, #tpu.memory_space<vmem>>, vector<1x16xf32>,
        %get3A_177 = vector.shape_cast %get3A_176 : vector<1x16xf32> to vector<16xf32>
        %mul3A_178 = arith.mulf %get3A_165, %get3A_173 : vector<16xf32>
        %mul3A_179 = arith.mulf %get3A_169, %get3A_177 : vector<16xf32>
        %sub3A_180 = arith.subf %mul3A_178, %mul3A_179 : vector<16xf32>
        %swap3A_181 = arith.index_cast %scan3A_100 : i32 to index
        %swap3A_182 = arith.constant 32 : index
        %swap3A_183 = tpu.vector_load %arg12[%swap3A_181, %swap3A_182] {strides = array<i32>} : memref<80x128xf32, #tpu.memory_space<vmem>>, vector<1x16xf32>,
        %swap3A_184 = vector.shape_cast %swap3A_183 : vector<1x16xf32> to vector<16xf32>
        %swap3A_185 = vector.shape_cast %sub3A_180 : vector<16xf32> to vector<1x16xf32>
        tpu.vector_store %arg12[%swap3A_181, %swap3A_182], %swap3A_185 {strides = array<i32>} : memref<80x128xf32, #tpu.memory_space<vmem>>, vector<1x16xf32>,
        %mul3A_186 = arith.mulf %get3A_165, %get3A_177 : vector<16xf32>
        %mul3A_187 = arith.mulf %get3A_169, %get3A_173 : vector<16xf32>
        %add3A_188 = arith.addf %mul3A_186, %mul3A_187 : vector<16xf32>
        %swap3A_189 = arith.index_cast %scan3A_100 : i32 to index
        %swap3A_190 = arith.constant 96 : index
        %swap3A_191 = tpu.vector_load %arg12[%swap3A_189, %swap3A_190] {strides = array<i32>} : memref<80x128xf32, #tpu.memory_space<vmem>>, vector<1x16xf32>,
        %swap3A_192 = vector.shape_cast %swap3A_191 : vector<1x16xf32> to vector<16xf32>
        %swap3A_193 = vector.shape_cast %add3A_188 : vector<16xf32> to vector<1x16xf32>
        tpu.vector_store %arg12[%swap3A_189, %swap3A_190], %swap3A_193 {strides = array<i32>} : memref<80x128xf32, #tpu.memory_space<vmem>>, vector<1x16xf32>,
        %get3A_194 = arith.index_cast %scan3A_100 : i32 to index
        %get3A_195 = arith.constant 48 : index
        %get3A_196 = tpu.vector_load %arg12[%get3A_194, %get3A_195] {strides = array<i32>} : memref<80x128xf32, #tpu.memory_space<vmem>>, vector<1x16xf32>,
        %get3A_197 = vector.shape_cast %get3A_196 : vector<1x16xf32> to vector<16xf32>
        %get3A_198 = arith.index_cast %scan3A_100 : i32 to index
        %get3A_199 = arith.constant 112 : index
        %get3A_200 = tpu.vector_load %arg12[%get3A_198, %get3A_199] {strides = array<i32>} : memref<80x128xf32, #tpu.memory_space<vmem>>, vector<1x16xf32>,
        %get3A_201 = vector.shape_cast %get3A_200 : vector<1x16xf32> to vector<16xf32>
        %get3A_202 = arith.index_cast %scan3A_100 : i32 to index
        %get3A_203 = arith.constant 48 : index
        %get3A_204 = tpu.vector_load %arg13[%get3A_202, %get3A_203] {strides = array<i32>} : memref<80x128xf32, #tpu.memory_space<vmem>>, vector<1x16xf32>,
        %get3A_205 = vector.shape_cast %get3A_204 : vector<1x16xf32> to vector<16xf32>
        %get3A_206 = arith.index_cast %scan3A_100 : i32 to index
        %get3A_207 = arith.constant 112 : index
        %get3A_208 = tpu.vector_load %arg13[%get3A_206, %get3A_207] {strides = array<i32>} : memref<80x128xf32, #tpu.memory_space<vmem>>, vector<1x16xf32>,
        %get3A_209 = vector.shape_cast %get3A_208 : vector<1x16xf32> to vector<16xf32>
        %mul3A_210 = arith.mulf %get3A_197, %get3A_205 : vector<16xf32>
        %mul3A_211 = arith.mulf %get3A_201, %get3A_209 : vector<16xf32>
        %sub3A_212 = arith.subf %mul3A_210, %mul3A_211 : vector<16xf32>
        %swap3A_213 = arith.index_cast %scan3A_100 : i32 to index
        %swap3A_214 = arith.constant 48 : index
        %swap3A_215 = tpu.vector_load %arg12[%swap3A_213, %swap3A_214] {strides = array<i32>} : memref<80x128xf32, #tpu.memory_space<vmem>>, vector<1x16xf32>,
        %swap3A_216 = vector.shape_cast %swap3A_215 : vector<1x16xf32> to vector<16xf32>
        %swap3A_217 = vector.shape_cast %sub3A_212 : vector<16xf32> to vector<1x16xf32>
        tpu.vector_store %arg12[%swap3A_213, %swap3A_214], %swap3A_217 {strides = array<i32>} : memref<80x128xf32, #tpu.memory_space<vmem>>, vector<1x16xf32>,
        %mul3A_218 = arith.mulf %get3A_197, %get3A_209 : vector<16xf32>
        %mul3A_219 = arith.mulf %get3A_201, %get3A_205 : vector<16xf32>
        %add3A_220 = arith.addf %mul3A_218, %mul3A_219 : vector<16xf32>
        %swap3A_221 = arith.index_cast %scan3A_100 : i32 to index
        %swap3A_222 = arith.constant 112 : index
        %swap3A_223 = tpu.vector_load %arg12[%swap3A_221, %swap3A_222] {strides = array<i32>} : memref<80x128xf32, #tpu.memory_space<vmem>>, vector<1x16xf32>,
        %swap3A_224 = vector.shape_cast %swap3A_223 : vector<1x16xf32> to vector<16xf32>
        %swap3A_225 = vector.shape_cast %add3A_220 : vector<16xf32> to vector<1x16xf32>
        tpu.vector_store %arg12[%swap3A_221, %swap3A_222], %swap3A_225 {strides = array<i32>} : memref<80x128xf32, #tpu.memory_space<vmem>>, vector<1x16xf32>,
      }
      %scan3A_99 = arith.constant 80 : i32
      "tpu.region"() ({
        %run_scoped3A = tpu.sem_alloc : memref<!tpu.dma_semaphore, #tpu.memory_space<semaphore_mem>>
        %dma_start3A_100 = arith.constant 0 : i32
        %dma_start3A_101 = arith.constant 0 : i32
        %dma_start3A_102 = tpu.memref_slice %arg8[%dma_start3A_100, %dma_start3A_101] : memref<10240x128xf32, #tpu.memory_space<vmem_shared>> -> memref<10240x128xf32, #tpu.memory_space<vmem_shared>>
        tpu.enqueue_indirect_dma source(%arg12 : memref<80x128xf32, #tpu.memory_space<vmem>>) target(%dma_start3A_102 : memref<10240x128xf32, #tpu.memory_space<vmem_shared>>) offsets(%arg10 : memref<80xi32, #tpu.memory_space<vmem>>) semaphore(%run_scoped3A : memref<!tpu.dma_semaphore, #tpu.memory_space<semaphore_mem>>) {add = true}
        %dma_wait3A_103 = arith.constant 0 : i32
        %dma_wait3A_104 = arith.constant 0 : i32
        %dma_wait3A_105 = tpu.memref_slice %arg8[%dma_wait3A_103, %dma_wait3A_104] : memref<10240x128xf32, #tpu.memory_space<vmem_shared>> -> memref<10240x128xf32, #tpu.memory_space<vmem_shared>>
        tpu.wait_indirect_dma semaphore(%run_scoped3A : memref<!tpu.dma_semaphore, #tpu.memory_space<semaphore_mem>>) src(%arg12 : memref<80x128xf32, #tpu.memory_space<vmem>>) dst(%dma_wait3A_105 : memref<10240x128xf32, #tpu.memory_space<vmem_shared>>)
        tpu.yield
      }) : () -> ()
    }
    %scan3A_41 = arith.constant 125 : i32
    %barrier3A_42 = arith.constant 0 : index
    tpu.barrier barrier_id(%barrier3A_42)
    %mul3A_43 = arith.constant 640 : i32
    %mul3A_44 = arith.muli %arg1, %mul3A_43 : i32
    %add3A_45 = arith.constant 0 : i32
    %add3A_46 = arith.addi %mul3A_44, %add3A_45 : i32
    "tpu.region"() ({
      %run_scoped3A = tpu.sem_alloc : memref<!tpu.dma_semaphore, #tpu.memory_space<semaphore_mem>>
      %dma_start3A = arith.constant 0 : i32
      %dma_start3A_75 = tpu.memref_slice %arg8[%add3A_46, %dma_start3A] : memref<10240x128xf32, #tpu.memory_space<vmem_shared>> -> memref<80x128xf32, #tpu.memory_space<vmem_shared>>
      %dma_start3A_76 = arith.constant 0 : i32
      %dma_start3A_77 = tpu.memref_slice %arg8[%add3A_46, %dma_start3A_76] : memref<10240x128xf32, #tpu.memory_space<vmem_shared>> -> memref<80x128xf32, #tpu.memory_space<vmem_shared>>
      tpu.enqueue_dma source(%dma_start3A_77 : memref<80x128xf32, #tpu.memory_space<vmem_shared>>) target(%arg12 : memref<80x128xf32, #tpu.memory_space<vmem>>) target_semaphore(%run_scoped3A : memref<!tpu.dma_semaphore, #tpu.memory_space<semaphore_mem>>)
      %dma_wait3A = arith.constant 0 : i32
      %dma_wait3A_78 = tpu.memref_slice %arg8[%add3A_46, %dma_wait3A] : memref<10240x128xf32, #tpu.memory_space<vmem_shared>> -> memref<80x128xf32, #tpu.memory_space<vmem_shared>>
      %dma_wait3A_79 = arith.constant 0 : i32
      %dma_wait3A_80 = tpu.memref_slice %arg8[%add3A_46, %dma_wait3A_79] : memref<10240x128xf32, #tpu.memory_space<vmem_shared>> -> memref<80x128xf32, #tpu.memory_space<vmem_shared>>
      tpu.wait_dma2 semaphore(%run_scoped3A : memref<!tpu.dma_semaphore, #tpu.memory_space<semaphore_mem>>) src(%dma_wait3A_80 : memref<80x128xf32, #tpu.memory_space<vmem_shared>>) dst(%arg12 : memref<80x128xf32, #tpu.memory_space<vmem>>)
      tpu.yield
    }) : () -> ()
    "tpu.region"() ({
      %run_scoped3A = tpu.sem_alloc : memref<!tpu.dma_semaphore, #tpu.memory_space<semaphore_mem>>
      %dma_start3A = arith.constant 0 : i32
      %dma_start3A_75 = tpu.memref_slice %arg7[%arg0, %add3A_46, %dma_start3A] : memref<2x10240x128xf32, #tpu.memory_space<hbm>> -> memref<1x80x128xf32, #tpu.memory_space<hbm>>
      %dma_start3A_76 = tpu.memref_squeeze %dma_start3A_75 : memref<1x80x128xf32, #tpu.memory_space<hbm>> -> memref<80x128xf32, #tpu.memory_space<hbm>>
      %dma_start3A_77 = arith.constant 0 : i32
      %dma_start3A_78 = tpu.memref_slice %arg7[%arg0, %add3A_46, %dma_start3A_77] : memref<2x10240x128xf32, #tpu.memory_space<hbm>> -> memref<1x80x128xf32, #tpu.memory_space<hbm>>
      %dma_start3A_79 = tpu.memref_squeeze %dma_start3A_78 : memref<1x80x128xf32, #tpu.memory_space<hbm>> -> memref<80x128xf32, #tpu.memory_space<hbm>>
      tpu.enqueue_dma source(%arg12 : memref<80x128xf32, #tpu.memory_space<vmem>>) target(%dma_start3A_79 : memref<80x128xf32, #tpu.memory_space<hbm>>) target_semaphore(%run_scoped3A : memref<!tpu.dma_semaphore, #tpu.memory_space<semaphore_mem>>)
      %dma_wait3A = arith.constant 0 : i32
      %dma_wait3A_80 = tpu.memref_slice %arg7[%arg0, %add3A_46, %dma_wait3A] : memref<2x10240x128xf32, #tpu.memory_space<hbm>> -> memref<1x80x128xf32, #tpu.memory_space<hbm>>
      %dma_wait3A_81 = tpu.memref_squeeze %dma_wait3A_80 : memref<1x80x128xf32, #tpu.memory_space<hbm>> -> memref<80x128xf32, #tpu.memory_space<hbm>>
      %dma_wait3A_82 = arith.constant 0 : i32
      %dma_wait3A_83 = tpu.memref_slice %arg7[%arg0, %add3A_46, %dma_wait3A_82] : memref<2x10240x128xf32, #tpu.memory_space<hbm>> -> memref<1x80x128xf32, #tpu.memory_space<hbm>>
      %dma_wait3A_84 = tpu.memref_squeeze %dma_wait3A_83 : memref<1x80x128xf32, #tpu.memory_space<hbm>> -> memref<80x128xf32, #tpu.memory_space<hbm>>
      tpu.wait_dma2 semaphore(%run_scoped3A : memref<!tpu.dma_semaphore, #tpu.memory_space<semaphore_mem>>) src(%arg12 : memref<80x128xf32, #tpu.memory_space<vmem>>) dst(%dma_wait3A_84 : memref<80x128xf32, #tpu.memory_space<hbm>>)
      tpu.yield
    }) : () -> ()
    %mul3A_47 = arith.constant 640 : i32
    %mul3A_48 = arith.muli %arg1, %mul3A_47 : i32
    %add3A_49 = arith.constant 80 : i32
    %add3A_50 = arith.addi %mul3A_48, %add3A_49 : i32
    "tpu.region"() ({
      %run_scoped3A = tpu.sem_alloc : memref<!tpu.dma_semaphore, #tpu.memory_space<semaphore_mem>>
      %dma_start3A = arith.constant 0 : i32
      %dma_start3A_75 = tpu.memref_slice %arg8[%add3A_50, %dma_start3A] : memref<10240x128xf32, #tpu.memory_space<vmem_shared>> -> memref<80x128xf32, #tpu.memory_space<vmem_shared>>
      %dma_start3A_76 = arith.constant 0 : i32
      %dma_start3A_77 = tpu.memref_slice %arg8[%add3A_50, %dma_start3A_76] : memref<10240x128xf32, #tpu.memory_space<vmem_shared>> -> memref<80x128xf32, #tpu.memory_space<vmem_shared>>
      tpu.enqueue_dma source(%dma_start3A_77 : memref<80x128xf32, #tpu.memory_space<vmem_shared>>) target(%arg12 : memref<80x128xf32, #tpu.memory_space<vmem>>) target_semaphore(%run_scoped3A : memref<!tpu.dma_semaphore, #tpu.memory_space<semaphore_mem>>)
      %dma_wait3A = arith.constant 0 : i32
      %dma_wait3A_78 = tpu.memref_slice %arg8[%add3A_50, %dma_wait3A] : memref<10240x128xf32, #tpu.memory_space<vmem_shared>> -> memref<80x128xf32, #tpu.memory_space<vmem_shared>>
      %dma_wait3A_79 = arith.constant 0 : i32
      %dma_wait3A_80 = tpu.memref_slice %arg8[%add3A_50, %dma_wait3A_79] : memref<10240x128xf32, #tpu.memory_space<vmem_shared>> -> memref<80x128xf32, #tpu.memory_space<vmem_shared>>
      tpu.wait_dma2 semaphore(%run_scoped3A : memref<!tpu.dma_semaphore, #tpu.memory_space<semaphore_mem>>) src(%dma_wait3A_80 : memref<80x128xf32, #tpu.memory_space<vmem_shared>>) dst(%arg12 : memref<80x128xf32, #tpu.memory_space<vmem>>)
      tpu.yield
    }) : () -> ()
    "tpu.region"() ({
      %run_scoped3A = tpu.sem_alloc : memref<!tpu.dma_semaphore, #tpu.memory_space<semaphore_mem>>
      %dma_start3A = arith.constant 0 : i32
      %dma_start3A_75 = tpu.memref_slice %arg7[%arg0, %add3A_50, %dma_start3A] : memref<2x10240x128xf32, #tpu.memory_space<hbm>> -> memref<1x80x128xf32, #tpu.memory_space<hbm>>
      %dma_start3A_76 = tpu.memref_squeeze %dma_start3A_75 : memref<1x80x128xf32, #tpu.memory_space<hbm>> -> memref<80x128xf32, #tpu.memory_space<hbm>>
      %dma_start3A_77 = arith.constant 0 : i32
      %dma_start3A_78 = tpu.memref_slice %arg7[%arg0, %add3A_50, %dma_start3A_77] : memref<2x10240x128xf32, #tpu.memory_space<hbm>> -> memref<1x80x128xf32, #tpu.memory_space<hbm>>
      %dma_start3A_79 = tpu.memref_squeeze %dma_start3A_78 : memref<1x80x128xf32, #tpu.memory_space<hbm>> -> memref<80x128xf32, #tpu.memory_space<hbm>>
      tpu.enqueue_dma source(%arg12 : memref<80x128xf32, #tpu.memory_space<vmem>>) target(%dma_start3A_79 : memref<80x128xf32, #tpu.memory_space<hbm>>) target_semaphore(%run_scoped3A : memref<!tpu.dma_semaphore, #tpu.memory_space<semaphore_mem>>)
      %dma_wait3A = arith.constant 0 : i32
      %dma_wait3A_80 = tpu.memref_slice %arg7[%arg0, %add3A_50, %dma_wait3A] : memref<2x10240x128xf32, #tpu.memory_space<hbm>> -> memref<1x80x128xf32, #tpu.memory_space<hbm>>
      %dma_wait3A_81 = tpu.memref_squeeze %dma_wait3A_80 : memref<1x80x128xf32, #tpu.memory_space<hbm>> -> memref<80x128xf32, #tpu.memory_space<hbm>>
      %dma_wait3A_82 = arith.constant 0 : i32
      %dma_wait3A_83 = tpu.memref_slice %arg7[%arg0, %add3A_50, %dma_wait3A_82] : memref<2x10240x128xf32, #tpu.memory_space<hbm>> -> memref<1x80x128xf32, #tpu.memory_space<hbm>>
      %dma_wait3A_84 = tpu.memref_squeeze %dma_wait3A_83 : memref<1x80x128xf32, #tpu.memory_space<hbm>> -> memref<80x128xf32, #tpu.memory_space<hbm>>
      tpu.wait_dma2 semaphore(%run_scoped3A : memref<!tpu.dma_semaphore, #tpu.memory_space<semaphore_mem>>) src(%arg12 : memref<80x128xf32, #tpu.memory_space<vmem>>) dst(%dma_wait3A_84 : memref<80x128xf32, #tpu.memory_space<hbm>>)
      tpu.yield
    }) : () -> ()
    %mul3A_51 = arith.constant 640 : i32
    %mul3A_52 = arith.muli %arg1, %mul3A_51 : i32
    %add3A_53 = arith.constant 160 : i32
    %add3A_54 = arith.addi %mul3A_52, %add3A_53 : i32
    "tpu.region"() ({
      %run_scoped3A = tpu.sem_alloc : memref<!tpu.dma_semaphore, #tpu.memory_space<semaphore_mem>>
      %dma_start3A = arith.constant 0 : i32
      %dma_start3A_75 = tpu.memref_slice %arg8[%add3A_54, %dma_start3A] : memref<10240x128xf32, #tpu.memory_space<vmem_shared>> -> memref<80x128xf32, #tpu.memory_space<vmem_shared>>
      %dma_start3A_76 = arith.constant 0 : i32
      %dma_start3A_77 = tpu.memref_slice %arg8[%add3A_54, %dma_start3A_76] : memref<10240x128xf32, #tpu.memory_space<vmem_shared>> -> memref<80x128xf32, #tpu.memory_space<vmem_shared>>
      tpu.enqueue_dma source(%dma_start3A_77 : memref<80x128xf32, #tpu.memory_space<vmem_shared>>) target(%arg12 : memref<80x128xf32, #tpu.memory_space<vmem>>) target_semaphore(%run_scoped3A : memref<!tpu.dma_semaphore, #tpu.memory_space<semaphore_mem>>)
      %dma_wait3A = arith.constant 0 : i32
      %dma_wait3A_78 = tpu.memref_slice %arg8[%add3A_54, %dma_wait3A] : memref<10240x128xf32, #tpu.memory_space<vmem_shared>> -> memref<80x128xf32, #tpu.memory_space<vmem_shared>>
      %dma_wait3A_79 = arith.constant 0 : i32
      %dma_wait3A_80 = tpu.memref_slice %arg8[%add3A_54, %dma_wait3A_79] : memref<10240x128xf32, #tpu.memory_space<vmem_shared>> -> memref<80x128xf32, #tpu.memory_space<vmem_shared>>
      tpu.wait_dma2 semaphore(%run_scoped3A : memref<!tpu.dma_semaphore, #tpu.memory_space<semaphore_mem>>) src(%dma_wait3A_80 : memref<80x128xf32, #tpu.memory_space<vmem_shared>>) dst(%arg12 : memref<80x128xf32, #tpu.memory_space<vmem>>)
      tpu.yield
    }) : () -> ()
    "tpu.region"() ({
      %run_scoped3A = tpu.sem_alloc : memref<!tpu.dma_semaphore, #tpu.memory_space<semaphore_mem>>
      %dma_start3A = arith.constant 0 : i32
      %dma_start3A_75 = tpu.memref_slice %arg7[%arg0, %add3A_54, %dma_start3A] : memref<2x10240x128xf32, #tpu.memory_space<hbm>> -> memref<1x80x128xf32, #tpu.memory_space<hbm>>
      %dma_start3A_76 = tpu.memref_squeeze %dma_start3A_75 : memref<1x80x128xf32, #tpu.memory_space<hbm>> -> memref<80x128xf32, #tpu.memory_space<hbm>>
      %dma_start3A_77 = arith.constant 0 : i32
      %dma_start3A_78 = tpu.memref_slice %arg7[%arg0, %add3A_54, %dma_start3A_77] : memref<2x10240x128xf32, #tpu.memory_space<hbm>> -> memref<1x80x128xf32, #tpu.memory_space<hbm>>
      %dma_start3A_79 = tpu.memref_squeeze %dma_start3A_78 : memref<1x80x128xf32, #tpu.memory_space<hbm>> -> memref<80x128xf32, #tpu.memory_space<hbm>>
      tpu.enqueue_dma source(%arg12 : memref<80x128xf32, #tpu.memory_space<vmem>>) target(%dma_start3A_79 : memref<80x128xf32, #tpu.memory_space<hbm>>) target_semaphore(%run_scoped3A : memref<!tpu.dma_semaphore, #tpu.memory_space<semaphore_mem>>)
      %dma_wait3A = arith.constant 0 : i32
      %dma_wait3A_80 = tpu.memref_slice %arg7[%arg0, %add3A_54, %dma_wait3A] : memref<2x10240x128xf32, #tpu.memory_space<hbm>> -> memref<1x80x128xf32, #tpu.memory_space<hbm>>
      %dma_wait3A_81 = tpu.memref_squeeze %dma_wait3A_80 : memref<1x80x128xf32, #tpu.memory_space<hbm>> -> memref<80x128xf32, #tpu.memory_space<hbm>>
      %dma_wait3A_82 = arith.constant 0 : i32
      %dma_wait3A_83 = tpu.memref_slice %arg7[%arg0, %add3A_54, %dma_wait3A_82] : memref<2x10240x128xf32, #tpu.memory_space<hbm>> -> memref<1x80x128xf32, #tpu.memory_space<hbm>>
      %dma_wait3A_84 = tpu.memref_squeeze %dma_wait3A_83 : memref<1x80x128xf32, #tpu.memory_space<hbm>> -> memref<80x128xf32, #tpu.memory_space<hbm>>
      tpu.wait_dma2 semaphore(%run_scoped3A : memref<!tpu.dma_semaphore, #tpu.memory_space<semaphore_mem>>) src(%arg12 : memref<80x128xf32, #tpu.memory_space<vmem>>) dst(%dma_wait3A_84 : memref<80x128xf32, #tpu.memory_space<hbm>>)
      tpu.yield
    }) : () -> ()
    %mul3A_55 = arith.constant 640 : i32
    %mul3A_56 = arith.muli %arg1, %mul3A_55 : i32
    %add3A_57 = arith.constant 240 : i32
    %add3A_58 = arith.addi %mul3A_56, %add3A_57 : i32
    "tpu.region"() ({
      %run_scoped3A = tpu.sem_alloc : memref<!tpu.dma_semaphore, #tpu.memory_space<semaphore_mem>>
      %dma_start3A = arith.constant 0 : i32
      %dma_start3A_75 = tpu.memref_slice %arg8[%add3A_58, %dma_start3A] : memref<10240x128xf32, #tpu.memory_space<vmem_shared>> -> memref<80x128xf32, #tpu.memory_space<vmem_shared>>
      %dma_start3A_76 = arith.constant 0 : i32
      %dma_start3A_77 = tpu.memref_slice %arg8[%add3A_58, %dma_start3A_76] : memref<10240x128xf32, #tpu.memory_space<vmem_shared>> -> memref<80x128xf32, #tpu.memory_space<vmem_shared>>
      tpu.enqueue_dma source(%dma_start3A_77 : memref<80x128xf32, #tpu.memory_space<vmem_shared>>) target(%arg12 : memref<80x128xf32, #tpu.memory_space<vmem>>) target_semaphore(%run_scoped3A : memref<!tpu.dma_semaphore, #tpu.memory_space<semaphore_mem>>)
      %dma_wait3A = arith.constant 0 : i32
      %dma_wait3A_78 = tpu.memref_slice %arg8[%add3A_58, %dma_wait3A] : memref<10240x128xf32, #tpu.memory_space<vmem_shared>> -> memref<80x128xf32, #tpu.memory_space<vmem_shared>>
      %dma_wait3A_79 = arith.constant 0 : i32
      %dma_wait3A_80 = tpu.memref_slice %arg8[%add3A_58, %dma_wait3A_79] : memref<10240x128xf32, #tpu.memory_space<vmem_shared>> -> memref<80x128xf32, #tpu.memory_space<vmem_shared>>
      tpu.wait_dma2 semaphore(%run_scoped3A : memref<!tpu.dma_semaphore, #tpu.memory_space<semaphore_mem>>) src(%dma_wait3A_80 : memref<80x128xf32, #tpu.memory_space<vmem_shared>>) dst(%arg12 : memref<80x128xf32, #tpu.memory_space<vmem>>)
      tpu.yield
    }) : () -> ()
    "tpu.region"() ({
      %run_scoped3A = tpu.sem_alloc : memref<!tpu.dma_semaphore, #tpu.memory_space<semaphore_mem>>
      %dma_start3A = arith.constant 0 : i32
      %dma_start3A_75 = tpu.memref_slice %arg7[%arg0, %add3A_58, %dma_start3A] : memref<2x10240x128xf32, #tpu.memory_space<hbm>> -> memref<1x80x128xf32, #tpu.memory_space<hbm>>
      %dma_start3A_76 = tpu.memref_squeeze %dma_start3A_75 : memref<1x80x128xf32, #tpu.memory_space<hbm>> -> memref<80x128xf32, #tpu.memory_space<hbm>>
      %dma_start3A_77 = arith.constant 0 : i32
      %dma_start3A_78 = tpu.memref_slice %arg7[%arg0, %add3A_58, %dma_start3A_77] : memref<2x10240x128xf32, #tpu.memory_space<hbm>> -> memref<1x80x128xf32, #tpu.memory_space<hbm>>
      %dma_start3A_79 = tpu.memref_squeeze %dma_start3A_78 : memref<1x80x128xf32, #tpu.memory_space<hbm>> -> memref<80x128xf32, #tpu.memory_space<hbm>>
      tpu.enqueue_dma source(%arg12 : memref<80x128xf32, #tpu.memory_space<vmem>>) target(%dma_start3A_79 : memref<80x128xf32, #tpu.memory_space<hbm>>) target_semaphore(%run_scoped3A : memref<!tpu.dma_semaphore, #tpu.memory_space<semaphore_mem>>)
      %dma_wait3A = arith.constant 0 : i32
      %dma_wait3A_80 = tpu.memref_slice %arg7[%arg0, %add3A_58, %dma_wait3A] : memref<2x10240x128xf32, #tpu.memory_space<hbm>> -> memref<1x80x128xf32, #tpu.memory_space<hbm>>
      %dma_wait3A_81 = tpu.memref_squeeze %dma_wait3A_80 : memref<1x80x128xf32, #tpu.memory_space<hbm>> -> memref<80x128xf32, #tpu.memory_space<hbm>>
      %dma_wait3A_82 = arith.constant 0 : i32
      %dma_wait3A_83 = tpu.memref_slice %arg7[%arg0, %add3A_58, %dma_wait3A_82] : memref<2x10240x128xf32, #tpu.memory_space<hbm>> -> memref<1x80x128xf32, #tpu.memory_space<hbm>>
      %dma_wait3A_84 = tpu.memref_squeeze %dma_wait3A_83 : memref<1x80x128xf32, #tpu.memory_space<hbm>> -> memref<80x128xf32, #tpu.memory_space<hbm>>
      tpu.wait_dma2 semaphore(%run_scoped3A : memref<!tpu.dma_semaphore, #tpu.memory_space<semaphore_mem>>) src(%arg12 : memref<80x128xf32, #tpu.memory_space<vmem>>) dst(%dma_wait3A_84 : memref<80x128xf32, #tpu.memory_space<hbm>>)
      tpu.yield
    }) : () -> ()
    %mul3A_59 = arith.constant 640 : i32
    %mul3A_60 = arith.muli %arg1, %mul3A_59 : i32
    %add3A_61 = arith.constant 320 : i32
    %add3A_62 = arith.addi %mul3A_60, %add3A_61 : i32
    "tpu.region"() ({
      %run_scoped3A = tpu.sem_alloc : memref<!tpu.dma_semaphore, #tpu.memory_space<semaphore_mem>>
      %dma_start3A = arith.constant 0 : i32
      %dma_start3A_75 = tpu.memref_slice %arg8[%add3A_62, %dma_start3A] : memref<10240x128xf32, #tpu.memory_space<vmem_shared>> -> memref<80x128xf32, #tpu.memory_space<vmem_shared>>
      %dma_start3A_76 = arith.constant 0 : i32
      %dma_start3A_77 = tpu.memref_slice %arg8[%add3A_62, %dma_start3A_76] : memref<10240x128xf32, #tpu.memory_space<vmem_shared>> -> memref<80x128xf32, #tpu.memory_space<vmem_shared>>
      tpu.enqueue_dma source(%dma_start3A_77 : memref<80x128xf32, #tpu.memory_space<vmem_shared>>) target(%arg12 : memref<80x128xf32, #tpu.memory_space<vmem>>) target_semaphore(%run_scoped3A : memref<!tpu.dma_semaphore, #tpu.memory_space<semaphore_mem>>)
      %dma_wait3A = arith.constant 0 : i32
      %dma_wait3A_78 = tpu.memref_slice %arg8[%add3A_62, %dma_wait3A] : memref<10240x128xf32, #tpu.memory_space<vmem_shared>> -> memref<80x128xf32, #tpu.memory_space<vmem_shared>>
      %dma_wait3A_79 = arith.constant 0 : i32
      %dma_wait3A_80 = tpu.memref_slice %arg8[%add3A_62, %dma_wait3A_79] : memref<10240x128xf32, #tpu.memory_space<vmem_shared>> -> memref<80x128xf32, #tpu.memory_space<vmem_shared>>
      tpu.wait_dma2 semaphore(%run_scoped3A : memref<!tpu.dma_semaphore, #tpu.memory_space<semaphore_mem>>) src(%dma_wait3A_80 : memref<80x128xf32, #tpu.memory_space<vmem_shared>>) dst(%arg12 : memref<80x128xf32, #tpu.memory_space<vmem>>)
      tpu.yield
    }) : () -> ()
    "tpu.region"() ({
      %run_scoped3A = tpu.sem_alloc : memref<!tpu.dma_semaphore, #tpu.memory_space<semaphore_mem>>
      %dma_start3A = arith.constant 0 : i32
      %dma_start3A_75 = tpu.memref_slice %arg7[%arg0, %add3A_62, %dma_start3A] : memref<2x10240x128xf32, #tpu.memory_space<hbm>> -> memref<1x80x128xf32, #tpu.memory_space<hbm>>
      %dma_start3A_76 = tpu.memref_squeeze %dma_start3A_75 : memref<1x80x128xf32, #tpu.memory_space<hbm>> -> memref<80x128xf32, #tpu.memory_space<hbm>>
      %dma_start3A_77 = arith.constant 0 : i32
      %dma_start3A_78 = tpu.memref_slice %arg7[%arg0, %add3A_62, %dma_start3A_77] : memref<2x10240x128xf32, #tpu.memory_space<hbm>> -> memref<1x80x128xf32, #tpu.memory_space<hbm>>
      %dma_start3A_79 = tpu.memref_squeeze %dma_start3A_78 : memref<1x80x128xf32, #tpu.memory_space<hbm>> -> memref<80x128xf32, #tpu.memory_space<hbm>>
      tpu.enqueue_dma source(%arg12 : memref<80x128xf32, #tpu.memory_space<vmem>>) target(%dma_start3A_79 : memref<80x128xf32, #tpu.memory_space<hbm>>) target_semaphore(%run_scoped3A : memref<!tpu.dma_semaphore, #tpu.memory_space<semaphore_mem>>)
      %dma_wait3A = arith.constant 0 : i32
      %dma_wait3A_80 = tpu.memref_slice %arg7[%arg0, %add3A_62, %dma_wait3A] : memref<2x10240x128xf32, #tpu.memory_space<hbm>> -> memref<1x80x128xf32, #tpu.memory_space<hbm>>
      %dma_wait3A_81 = tpu.memref_squeeze %dma_wait3A_80 : memref<1x80x128xf32, #tpu.memory_space<hbm>> -> memref<80x128xf32, #tpu.memory_space<hbm>>
      %dma_wait3A_82 = arith.constant 0 : i32
      %dma_wait3A_83 = tpu.memref_slice %arg7[%arg0, %add3A_62, %dma_wait3A_82] : memref<2x10240x128xf32, #tpu.memory_space<hbm>> -> memref<1x80x128xf32, #tpu.memory_space<hbm>>
      %dma_wait3A_84 = tpu.memref_squeeze %dma_wait3A_83 : memref<1x80x128xf32, #tpu.memory_space<hbm>> -> memref<80x128xf32, #tpu.memory_space<hbm>>
      tpu.wait_dma2 semaphore(%run_scoped3A : memref<!tpu.dma_semaphore, #tpu.memory_space<semaphore_mem>>) src(%arg12 : memref<80x128xf32, #tpu.memory_space<vmem>>) dst(%dma_wait3A_84 : memref<80x128xf32, #tpu.memory_space<hbm>>)
      tpu.yield
    }) : () -> ()
    %mul3A_63 = arith.constant 640 : i32
    %mul3A_64 = arith.muli %arg1, %mul3A_63 : i32
    %add3A_65 = arith.constant 400 : i32
    %add3A_66 = arith.addi %mul3A_64, %add3A_65 : i32
    "tpu.region"() ({
      %run_scoped3A = tpu.sem_alloc : memref<!tpu.dma_semaphore, #tpu.memory_space<semaphore_mem>>
      %dma_start3A = arith.constant 0 : i32
      %dma_start3A_75 = tpu.memref_slice %arg8[%add3A_66, %dma_start3A] : memref<10240x128xf32, #tpu.memory_space<vmem_shared>> -> memref<80x128xf32, #tpu.memory_space<vmem_shared>>
      %dma_start3A_76 = arith.constant 0 : i32
      %dma_start3A_77 = tpu.memref_slice %arg8[%add3A_66, %dma_start3A_76] : memref<10240x128xf32, #tpu.memory_space<vmem_shared>> -> memref<80x128xf32, #tpu.memory_space<vmem_shared>>
      tpu.enqueue_dma source(%dma_start3A_77 : memref<80x128xf32, #tpu.memory_space<vmem_shared>>) target(%arg12 : memref<80x128xf32, #tpu.memory_space<vmem>>) target_semaphore(%run_scoped3A : memref<!tpu.dma_semaphore, #tpu.memory_space<semaphore_mem>>)
      %dma_wait3A = arith.constant 0 : i32
      %dma_wait3A_78 = tpu.memref_slice %arg8[%add3A_66, %dma_wait3A] : memref<10240x128xf32, #tpu.memory_space<vmem_shared>> -> memref<80x128xf32, #tpu.memory_space<vmem_shared>>
      %dma_wait3A_79 = arith.constant 0 : i32
      %dma_wait3A_80 = tpu.memref_slice %arg8[%add3A_66, %dma_wait3A_79] : memref<10240x128xf32, #tpu.memory_space<vmem_shared>> -> memref<80x128xf32, #tpu.memory_space<vmem_shared>>
      tpu.wait_dma2 semaphore(%run_scoped3A : memref<!tpu.dma_semaphore, #tpu.memory_space<semaphore_mem>>) src(%dma_wait3A_80 : memref<80x128xf32, #tpu.memory_space<vmem_shared>>) dst(%arg12 : memref<80x128xf32, #tpu.memory_space<vmem>>)
      tpu.yield
    }) : () -> ()
    "tpu.region"() ({
      %run_scoped3A = tpu.sem_alloc : memref<!tpu.dma_semaphore, #tpu.memory_space<semaphore_mem>>
      %dma_start3A = arith.constant 0 : i32
      %dma_start3A_75 = tpu.memref_slice %arg7[%arg0, %add3A_66, %dma_start3A] : memref<2x10240x128xf32, #tpu.memory_space<hbm>> -> memref<1x80x128xf32, #tpu.memory_space<hbm>>
      %dma_start3A_76 = tpu.memref_squeeze %dma_start3A_75 : memref<1x80x128xf32, #tpu.memory_space<hbm>> -> memref<80x128xf32, #tpu.memory_space<hbm>>
      %dma_start3A_77 = arith.constant 0 : i32
      %dma_start3A_78 = tpu.memref_slice %arg7[%arg0, %add3A_66, %dma_start3A_77] : memref<2x10240x128xf32, #tpu.memory_space<hbm>> -> memref<1x80x128xf32, #tpu.memory_space<hbm>>
      %dma_start3A_79 = tpu.memref_squeeze %dma_start3A_78 : memref<1x80x128xf32, #tpu.memory_space<hbm>> -> memref<80x128xf32, #tpu.memory_space<hbm>>
      tpu.enqueue_dma source(%arg12 : memref<80x128xf32, #tpu.memory_space<vmem>>) target(%dma_start3A_79 : memref<80x128xf32, #tpu.memory_space<hbm>>) target_semaphore(%run_scoped3A : memref<!tpu.dma_semaphore, #tpu.memory_space<semaphore_mem>>)
      %dma_wait3A = arith.constant 0 : i32
      %dma_wait3A_80 = tpu.memref_slice %arg7[%arg0, %add3A_66, %dma_wait3A] : memref<2x10240x128xf32, #tpu.memory_space<hbm>> -> memref<1x80x128xf32, #tpu.memory_space<hbm>>
      %dma_wait3A_81 = tpu.memref_squeeze %dma_wait3A_80 : memref<1x80x128xf32, #tpu.memory_space<hbm>> -> memref<80x128xf32, #tpu.memory_space<hbm>>
      %dma_wait3A_82 = arith.constant 0 : i32
      %dma_wait3A_83 = tpu.memref_slice %arg7[%arg0, %add3A_66, %dma_wait3A_82] : memref<2x10240x128xf32, #tpu.memory_space<hbm>> -> memref<1x80x128xf32, #tpu.memory_space<hbm>>
      %dma_wait3A_84 = tpu.memref_squeeze %dma_wait3A_83 : memref<1x80x128xf32, #tpu.memory_space<hbm>> -> memref<80x128xf32, #tpu.memory_space<hbm>>
      tpu.wait_dma2 semaphore(%run_scoped3A : memref<!tpu.dma_semaphore, #tpu.memory_space<semaphore_mem>>) src(%arg12 : memref<80x128xf32, #tpu.memory_space<vmem>>) dst(%dma_wait3A_84 : memref<80x128xf32, #tpu.memory_space<hbm>>)
      tpu.yield
    }) : () -> ()
    %mul3A_67 = arith.constant 640 : i32
    %mul3A_68 = arith.muli %arg1, %mul3A_67 : i32
    %add3A_69 = arith.constant 480 : i32
    %add3A_70 = arith.addi %mul3A_68, %add3A_69 : i32
    "tpu.region"() ({
      %run_scoped3A = tpu.sem_alloc : memref<!tpu.dma_semaphore, #tpu.memory_space<semaphore_mem>>
      %dma_start3A = arith.constant 0 : i32
      %dma_start3A_75 = tpu.memref_slice %arg8[%add3A_70, %dma_start3A] : memref<10240x128xf32, #tpu.memory_space<vmem_shared>> -> memref<80x128xf32, #tpu.memory_space<vmem_shared>>
      %dma_start3A_76 = arith.constant 0 : i32
      %dma_start3A_77 = tpu.memref_slice %arg8[%add3A_70, %dma_start3A_76] : memref<10240x128xf32, #tpu.memory_space<vmem_shared>> -> memref<80x128xf32, #tpu.memory_space<vmem_shared>>
      tpu.enqueue_dma source(%dma_start3A_77 : memref<80x128xf32, #tpu.memory_space<vmem_shared>>) target(%arg12 : memref<80x128xf32, #tpu.memory_space<vmem>>) target_semaphore(%run_scoped3A : memref<!tpu.dma_semaphore, #tpu.memory_space<semaphore_mem>>)
      %dma_wait3A = arith.constant 0 : i32
      %dma_wait3A_78 = tpu.memref_slice %arg8[%add3A_70, %dma_wait3A] : memref<10240x128xf32, #tpu.memory_space<vmem_shared>> -> memref<80x128xf32, #tpu.memory_space<vmem_shared>>
      %dma_wait3A_79 = arith.constant 0 : i32
      %dma_wait3A_80 = tpu.memref_slice %arg8[%add3A_70, %dma_wait3A_79] : memref<10240x128xf32, #tpu.memory_space<vmem_shared>> -> memref<80x128xf32, #tpu.memory_space<vmem_shared>>
      tpu.wait_dma2 semaphore(%run_scoped3A : memref<!tpu.dma_semaphore, #tpu.memory_space<semaphore_mem>>) src(%dma_wait3A_80 : memref<80x128xf32, #tpu.memory_space<vmem_shared>>) dst(%arg12 : memref<80x128xf32, #tpu.memory_space<vmem>>)
      tpu.yield
    }) : () -> ()
    "tpu.region"() ({
      %run_scoped3A = tpu.sem_alloc : memref<!tpu.dma_semaphore, #tpu.memory_space<semaphore_mem>>
      %dma_start3A = arith.constant 0 : i32
      %dma_start3A_75 = tpu.memref_slice %arg7[%arg0, %add3A_70, %dma_start3A] : memref<2x10240x128xf32, #tpu.memory_space<hbm>> -> memref<1x80x128xf32, #tpu.memory_space<hbm>>
      %dma_start3A_76 = tpu.memref_squeeze %dma_start3A_75 : memref<1x80x128xf32, #tpu.memory_space<hbm>> -> memref<80x128xf32, #tpu.memory_space<hbm>>
      %dma_start3A_77 = arith.constant 0 : i32
      %dma_start3A_78 = tpu.memref_slice %arg7[%arg0, %add3A_70, %dma_start3A_77] : memref<2x10240x128xf32, #tpu.memory_space<hbm>> -> memref<1x80x128xf32, #tpu.memory_space<hbm>>
      %dma_start3A_79 = tpu.memref_squeeze %dma_start3A_78 : memref<1x80x128xf32, #tpu.memory_space<hbm>> -> memref<80x128xf32, #tpu.memory_space<hbm>>
      tpu.enqueue_dma source(%arg12 : memref<80x128xf32, #tpu.memory_space<vmem>>) target(%dma_start3A_79 : memref<80x128xf32, #tpu.memory_space<hbm>>) target_semaphore(%run_scoped3A : memref<!tpu.dma_semaphore, #tpu.memory_space<semaphore_mem>>)
      %dma_wait3A = arith.constant 0 : i32
      %dma_wait3A_80 = tpu.memref_slice %arg7[%arg0, %add3A_70, %dma_wait3A] : memref<2x10240x128xf32, #tpu.memory_space<hbm>> -> memref<1x80x128xf32, #tpu.memory_space<hbm>>
      %dma_wait3A_81 = tpu.memref_squeeze %dma_wait3A_80 : memref<1x80x128xf32, #tpu.memory_space<hbm>> -> memref<80x128xf32, #tpu.memory_space<hbm>>
      %dma_wait3A_82 = arith.constant 0 : i32
      %dma_wait3A_83 = tpu.memref_slice %arg7[%arg0, %add3A_70, %dma_wait3A_82] : memref<2x10240x128xf32, #tpu.memory_space<hbm>> -> memref<1x80x128xf32, #tpu.memory_space<hbm>>
      %dma_wait3A_84 = tpu.memref_squeeze %dma_wait3A_83 : memref<1x80x128xf32, #tpu.memory_space<hbm>> -> memref<80x128xf32, #tpu.memory_space<hbm>>
      tpu.wait_dma2 semaphore(%run_scoped3A : memref<!tpu.dma_semaphore, #tpu.memory_space<semaphore_mem>>) src(%arg12 : memref<80x128xf32, #tpu.memory_space<vmem>>) dst(%dma_wait3A_84 : memref<80x128xf32, #tpu.memory_space<hbm>>)
      tpu.yield
    }) : () -> ()
    %mul3A_71 = arith.constant 640 : i32
    %mul3A_72 = arith.muli %arg1, %mul3A_71 : i32
    %add3A_73 = arith.constant 560 : i32
    %add3A_74 = arith.addi %mul3A_72, %add3A_73 : i32
    "tpu.region"() ({
      %run_scoped3A = tpu.sem_alloc : memref<!tpu.dma_semaphore, #tpu.memory_space<semaphore_mem>>
      %dma_start3A = arith.constant 0 : i32
      %dma_start3A_75 = tpu.memref_slice %arg8[%add3A_74, %dma_start3A] : memref<10240x128xf32, #tpu.memory_space<vmem_shared>> -> memref<80x128xf32, #tpu.memory_space<vmem_shared>>
      %dma_start3A_76 = arith.constant 0 : i32
      %dma_start3A_77 = tpu.memref_slice %arg8[%add3A_74, %dma_start3A_76] : memref<10240x128xf32, #tpu.memory_space<vmem_shared>> -> memref<80x128xf32, #tpu.memory_space<vmem_shared>>
      tpu.enqueue_dma source(%dma_start3A_77 : memref<80x128xf32, #tpu.memory_space<vmem_shared>>) target(%arg12 : memref<80x128xf32, #tpu.memory_space<vmem>>) target_semaphore(%run_scoped3A : memref<!tpu.dma_semaphore, #tpu.memory_space<semaphore_mem>>)
      %dma_wait3A = arith.constant 0 : i32
      %dma_wait3A_78 = tpu.memref_slice %arg8[%add3A_74, %dma_wait3A] : memref<10240x128xf32, #tpu.memory_space<vmem_shared>> -> memref<80x128xf32, #tpu.memory_space<vmem_shared>>
      %dma_wait3A_79 = arith.constant 0 : i32
      %dma_wait3A_80 = tpu.memref_slice %arg8[%add3A_74, %dma_wait3A_79] : memref<10240x128xf32, #tpu.memory_space<vmem_shared>> -> memref<80x128xf32, #tpu.memory_space<vmem_shared>>
      tpu.wait_dma2 semaphore(%run_scoped3A : memref<!tpu.dma_semaphore, #tpu.memory_space<semaphore_mem>>) src(%dma_wait3A_80 : memref<80x128xf32, #tpu.memory_space<vmem_shared>>) dst(%arg12 : memref<80x128xf32, #tpu.memory_space<vmem>>)
      tpu.yield
    }) : () -> ()
    "tpu.region"() ({
      %run_scoped3A = tpu.sem_alloc : memref<!tpu.dma_semaphore, #tpu.memory_space<semaphore_mem>>
      %dma_start3A = arith.constant 0 : i32
      %dma_start3A_75 = tpu.memref_slice %arg7[%arg0, %add3A_74, %dma_start3A] : memref<2x10240x128xf32, #tpu.memory_space<hbm>> -> memref<1x80x128xf32, #tpu.memory_space<hbm>>
      %dma_start3A_76 = tpu.memref_squeeze %dma_start3A_75 : memref<1x80x128xf32, #tpu.memory_space<hbm>> -> memref<80x128xf32, #tpu.memory_space<hbm>>
      %dma_start3A_77 = arith.constant 0 : i32
      %dma_start3A_78 = tpu.memref_slice %arg7[%arg0, %add3A_74, %dma_start3A_77] : memref<2x10240x128xf32, #tpu.memory_space<hbm>> -> memref<1x80x128xf32, #tpu.memory_space<hbm>>
      %dma_start3A_79 = tpu.memref_squeeze %dma_start3A_78 : memref<1x80x128xf32, #tpu.memory_space<hbm>> -> memref<80x128xf32, #tpu.memory_space<hbm>>
      tpu.enqueue_dma source(%arg12 : memref<80x128xf32, #tpu.memory_space<vmem>>) target(%dma_start3A_79 : memref<80x128xf32, #tpu.memory_space<hbm>>) target_semaphore(%run_scoped3A : memref<!tpu.dma_semaphore, #tpu.memory_space<semaphore_mem>>)
      %dma_wait3A = arith.constant 0 : i32
      %dma_wait3A_80 = tpu.memref_slice %arg7[%arg0, %add3A_74, %dma_wait3A] : memref<2x10240x128xf32, #tpu.memory_space<hbm>> -> memref<1x80x128xf32, #tpu.memory_space<hbm>>
      %dma_wait3A_81 = tpu.memref_squeeze %dma_wait3A_80 : memref<1x80x128xf32, #tpu.memory_space<hbm>> -> memref<80x128xf32, #tpu.memory_space<hbm>>
      %dma_wait3A_82 = arith.constant 0 : i32
      %dma_wait3A_83 = tpu.memref_slice %arg7[%arg0, %add3A_74, %dma_wait3A_82] : memref<2x10240x128xf32, #tpu.memory_space<hbm>> -> memref<1x80x128xf32, #tpu.memory_space<hbm>>
      %dma_wait3A_84 = tpu.memref_squeeze %dma_wait3A_83 : memref<1x80x128xf32, #tpu.memory_space<hbm>> -> memref<80x128xf32, #tpu.memory_space<hbm>>
      tpu.wait_dma2 semaphore(%run_scoped3A : memref<!tpu.dma_semaphore, #tpu.memory_space<semaphore_mem>>) src(%arg12 : memref<80x128xf32, #tpu.memory_space<vmem>>) dst(%dma_wait3A_84 : memref<80x128xf32, #tpu.memory_space<hbm>>)
      tpu.yield
    }) : () -> ()
    return
  }
}

#map = affine_map<(d0, d1) -> (0)>
#map1 = affine_map<(d0, d1) -> (0, 0, 0)>
module attributes {stable_mosaic.version = 14 : i64} {
  func.func @k(%arg0: i32, %arg1: i32, %arg2: memref<320000xi32, #tpu.memory_space<hbm>>, %arg3: memref<2x10240x128xf32, #tpu.memory_space<hbm>>, %arg4: memref<10240x128xf32, #tpu.memory_space<vmem_shared>>, %arg5: memref<80xi32, #tpu.memory_space<vmem>>, %arg6: memref<80x128xf32, #tpu.memory_space<vmem>>, %arg7: memref<80x128xf32, #tpu.memory_space<vmem>>) attributes {dimension_semantics = [#tpu.dimension_semantics<core_parallel>, #tpu.dimension_semantics<subcore_parallel>], iteration_bounds = array<i64: 2, 16>, scalar_prefetch = 0 : i64, scratch_operands = 4 : i64, tpu.core_type = #tpu.core_type<sc_vector_subcore>, window_params = [{transform_indices = #map}, {transform_indices = #map1}]} {
    %broadcast_in_dim3A = arith.constant 0.000000e+00 : f32
    %broadcast_in_dim3A_0 = vector.broadcast %broadcast_in_dim3A : f32 to vector<16xf32>
    %broadcast_in_dim3A_1 = arith.constant 1.000000e+00 : f32
    %broadcast_in_dim3A_2 = vector.broadcast %broadcast_in_dim3A_1 : f32 to vector<16xf32>
    %scan3A = arith.constant 0 : i32
    %scan3A_3 = arith.constant 0 : i32
    %scan3A_4 = arith.constant 80 : i32
    %scan3A_5 = arith.addi %scan3A_3, %scan3A_4 : i32
    %scan3A_6 = arith.constant 1 : i32
    scf.for %scan3A_77 = %scan3A_3 to %scan3A_5 step %scan3A_6  : i32 {
      %swap3A = arith.index_cast %scan3A_77 : i32 to index
      %swap3A_78 = arith.constant 0 : index
      %swap3A_79 = tpu.vector_load %arg7[%swap3A, %swap3A_78] {strides = array<i32>} : memref<80x128xf32, #tpu.memory_space<vmem>>, vector<1x16xf32>,
      %swap3A_80 = vector.shape_cast %swap3A_79 : vector<1x16xf32> to vector<16xf32>
      %swap3A_81 = vector.shape_cast %broadcast_in_dim3A_0 : vector<16xf32> to vector<1x16xf32>
      tpu.vector_store %arg7[%swap3A, %swap3A_78], %swap3A_81 {strides = array<i32>} : memref<80x128xf32, #tpu.memory_space<vmem>>, vector<1x16xf32>,
      %swap3A_82 = arith.index_cast %scan3A_77 : i32 to index
      %swap3A_83 = arith.constant 0 : index
      %swap3A_84 = tpu.vector_load %arg6[%swap3A_82, %swap3A_83] {strides = array<i32>} : memref<80x128xf32, #tpu.memory_space<vmem>>, vector<1x16xf32>,
      %swap3A_85 = vector.shape_cast %swap3A_84 : vector<1x16xf32> to vector<16xf32>
      %swap3A_86 = vector.shape_cast %broadcast_in_dim3A_2 : vector<16xf32> to vector<1x16xf32>
      tpu.vector_store %arg6[%swap3A_82, %swap3A_83], %swap3A_86 {strides = array<i32>} : memref<80x128xf32, #tpu.memory_space<vmem>>, vector<1x16xf32>,
      %swap3A_87 = arith.index_cast %scan3A_77 : i32 to index
      %swap3A_88 = arith.constant 16 : index
      %swap3A_89 = tpu.vector_load %arg7[%swap3A_87, %swap3A_88] {strides = array<i32>} : memref<80x128xf32, #tpu.memory_space<vmem>>, vector<1x16xf32>,
      %swap3A_90 = vector.shape_cast %swap3A_89 : vector<1x16xf32> to vector<16xf32>
      %swap3A_91 = vector.shape_cast %broadcast_in_dim3A_0 : vector<16xf32> to vector<1x16xf32>
      tpu.vector_store %arg7[%swap3A_87, %swap3A_88], %swap3A_91 {strides = array<i32>} : memref<80x128xf32, #tpu.memory_space<vmem>>, vector<1x16xf32>,
      %swap3A_92 = arith.index_cast %scan3A_77 : i32 to index
      %swap3A_93 = arith.constant 16 : index
      %swap3A_94 = tpu.vector_load %arg6[%swap3A_92, %swap3A_93] {strides = array<i32>} : memref<80x128xf32, #tpu.memory_space<vmem>>, vector<1x16xf32>,
      %swap3A_95 = vector.shape_cast %swap3A_94 : vector<1x16xf32> to vector<16xf32>
      %swap3A_96 = vector.shape_cast %broadcast_in_dim3A_2 : vector<16xf32> to vector<1x16xf32>
      tpu.vector_store %arg6[%swap3A_92, %swap3A_93], %swap3A_96 {strides = array<i32>} : memref<80x128xf32, #tpu.memory_space<vmem>>, vector<1x16xf32>,
      %swap3A_97 = arith.index_cast %scan3A_77 : i32 to index
      %swap3A_98 = arith.constant 32 : index
      %swap3A_99 = tpu.vector_load %arg7[%swap3A_97, %swap3A_98] {strides = array<i32>} : memref<80x128xf32, #tpu.memory_space<vmem>>, vector<1x16xf32>,
      %swap3A_100 = vector.shape_cast %swap3A_99 : vector<1x16xf32> to vector<16xf32>
      %swap3A_101 = vector.shape_cast %broadcast_in_dim3A_0 : vector<16xf32> to vector<1x16xf32>
      tpu.vector_store %arg7[%swap3A_97, %swap3A_98], %swap3A_101 {strides = array<i32>} : memref<80x128xf32, #tpu.memory_space<vmem>>, vector<1x16xf32>,
      %swap3A_102 = arith.index_cast %scan3A_77 : i32 to index
      %swap3A_103 = arith.constant 32 : index
      %swap3A_104 = tpu.vector_load %arg6[%swap3A_102, %swap3A_103] {strides = array<i32>} : memref<80x128xf32, #tpu.memory_space<vmem>>, vector<1x16xf32>,
      %swap3A_105 = vector.shape_cast %swap3A_104 : vector<1x16xf32> to vector<16xf32>
      %swap3A_106 = vector.shape_cast %broadcast_in_dim3A_2 : vector<16xf32> to vector<1x16xf32>
      tpu.vector_store %arg6[%swap3A_102, %swap3A_103], %swap3A_106 {strides = array<i32>} : memref<80x128xf32, #tpu.memory_space<vmem>>, vector<1x16xf32>,
      %swap3A_107 = arith.index_cast %scan3A_77 : i32 to index
      %swap3A_108 = arith.constant 48 : index
      %swap3A_109 = tpu.vector_load %arg7[%swap3A_107, %swap3A_108] {strides = array<i32>} : memref<80x128xf32, #tpu.memory_space<vmem>>, vector<1x16xf32>,
      %swap3A_110 = vector.shape_cast %swap3A_109 : vector<1x16xf32> to vector<16xf32>
      %swap3A_111 = vector.shape_cast %broadcast_in_dim3A_0 : vector<16xf32> to vector<1x16xf32>
      tpu.vector_store %arg7[%swap3A_107, %swap3A_108], %swap3A_111 {strides = array<i32>} : memref<80x128xf32, #tpu.memory_space<vmem>>, vector<1x16xf32>,
      %swap3A_112 = arith.index_cast %scan3A_77 : i32 to index
      %swap3A_113 = arith.constant 48 : index
      %swap3A_114 = tpu.vector_load %arg6[%swap3A_112, %swap3A_113] {strides = array<i32>} : memref<80x128xf32, #tpu.memory_space<vmem>>, vector<1x16xf32>,
      %swap3A_115 = vector.shape_cast %swap3A_114 : vector<1x16xf32> to vector<16xf32>
      %swap3A_116 = vector.shape_cast %broadcast_in_dim3A_2 : vector<16xf32> to vector<1x16xf32>
      tpu.vector_store %arg6[%swap3A_112, %swap3A_113], %swap3A_116 {strides = array<i32>} : memref<80x128xf32, #tpu.memory_space<vmem>>, vector<1x16xf32>,
      %swap3A_117 = arith.index_cast %scan3A_77 : i32 to index
      %swap3A_118 = arith.constant 64 : index
      %swap3A_119 = tpu.vector_load %arg7[%swap3A_117, %swap3A_118] {strides = array<i32>} : memref<80x128xf32, #tpu.memory_space<vmem>>, vector<1x16xf32>,
      %swap3A_120 = vector.shape_cast %swap3A_119 : vector<1x16xf32> to vector<16xf32>
      %swap3A_121 = vector.shape_cast %broadcast_in_dim3A_0 : vector<16xf32> to vector<1x16xf32>
      tpu.vector_store %arg7[%swap3A_117, %swap3A_118], %swap3A_121 {strides = array<i32>} : memref<80x128xf32, #tpu.memory_space<vmem>>, vector<1x16xf32>,
      %swap3A_122 = arith.index_cast %scan3A_77 : i32 to index
      %swap3A_123 = arith.constant 64 : index
      %swap3A_124 = tpu.vector_load %arg6[%swap3A_122, %swap3A_123] {strides = array<i32>} : memref<80x128xf32, #tpu.memory_space<vmem>>, vector<1x16xf32>,
      %swap3A_125 = vector.shape_cast %swap3A_124 : vector<1x16xf32> to vector<16xf32>
      %swap3A_126 = vector.shape_cast %broadcast_in_dim3A_2 : vector<16xf32> to vector<1x16xf32>
      tpu.vector_store %arg6[%swap3A_122, %swap3A_123], %swap3A_126 {strides = array<i32>} : memref<80x128xf32, #tpu.memory_space<vmem>>, vector<1x16xf32>,
      %swap3A_127 = arith.index_cast %scan3A_77 : i32 to index
      %swap3A_128 = arith.constant 80 : index
      %swap3A_129 = tpu.vector_load %arg7[%swap3A_127, %swap3A_128] {strides = array<i32>} : memref<80x128xf32, #tpu.memory_space<vmem>>, vector<1x16xf32>,
      %swap3A_130 = vector.shape_cast %swap3A_129 : vector<1x16xf32> to vector<16xf32>
      %swap3A_131 = vector.shape_cast %broadcast_in_dim3A_0 : vector<16xf32> to vector<1x16xf32>
      tpu.vector_store %arg7[%swap3A_127, %swap3A_128], %swap3A_131 {strides = array<i32>} : memref<80x128xf32, #tpu.memory_space<vmem>>, vector<1x16xf32>,
      %swap3A_132 = arith.index_cast %scan3A_77 : i32 to index
      %swap3A_133 = arith.constant 80 : index
      %swap3A_134 = tpu.vector_load %arg6[%swap3A_132, %swap3A_133] {strides = array<i32>} : memref<80x128xf32, #tpu.memory_space<vmem>>, vector<1x16xf32>,
      %swap3A_135 = vector.shape_cast %swap3A_134 : vector<1x16xf32> to vector<16xf32>
      %swap3A_136 = vector.shape_cast %broadcast_in_dim3A_2 : vector<16xf32> to vector<1x16xf32>
      tpu.vector_store %arg6[%swap3A_132, %swap3A_133], %swap3A_136 {strides = array<i32>} : memref<80x128xf32, #tpu.memory_space<vmem>>, vector<1x16xf32>,
      %swap3A_137 = arith.index_cast %scan3A_77 : i32 to index
      %swap3A_138 = arith.constant 96 : index
      %swap3A_139 = tpu.vector_load %arg7[%swap3A_137, %swap3A_138] {strides = array<i32>} : memref<80x128xf32, #tpu.memory_space<vmem>>, vector<1x16xf32>,
      %swap3A_140 = vector.shape_cast %swap3A_139 : vector<1x16xf32> to vector<16xf32>
      %swap3A_141 = vector.shape_cast %broadcast_in_dim3A_0 : vector<16xf32> to vector<1x16xf32>
      tpu.vector_store %arg7[%swap3A_137, %swap3A_138], %swap3A_141 {strides = array<i32>} : memref<80x128xf32, #tpu.memory_space<vmem>>, vector<1x16xf32>,
      %swap3A_142 = arith.index_cast %scan3A_77 : i32 to index
      %swap3A_143 = arith.constant 96 : index
      %swap3A_144 = tpu.vector_load %arg6[%swap3A_142, %swap3A_143] {strides = array<i32>} : memref<80x128xf32, #tpu.memory_space<vmem>>, vector<1x16xf32>,
      %swap3A_145 = vector.shape_cast %swap3A_144 : vector<1x16xf32> to vector<16xf32>
      %swap3A_146 = vector.shape_cast %broadcast_in_dim3A_2 : vector<16xf32> to vector<1x16xf32>
      tpu.vector_store %arg6[%swap3A_142, %swap3A_143], %swap3A_146 {strides = array<i32>} : memref<80x128xf32, #tpu.memory_space<vmem>>, vector<1x16xf32>,
      %swap3A_147 = arith.index_cast %scan3A_77 : i32 to index
      %swap3A_148 = arith.constant 112 : index
      %swap3A_149 = tpu.vector_load %arg7[%swap3A_147, %swap3A_148] {strides = array<i32>} : memref<80x128xf32, #tpu.memory_space<vmem>>, vector<1x16xf32>,
      %swap3A_150 = vector.shape_cast %swap3A_149 : vector<1x16xf32> to vector<16xf32>
      %swap3A_151 = vector.shape_cast %broadcast_in_dim3A_0 : vector<16xf32> to vector<1x16xf32>
      tpu.vector_store %arg7[%swap3A_147, %swap3A_148], %swap3A_151 {strides = array<i32>} : memref<80x128xf32, #tpu.memory_space<vmem>>, vector<1x16xf32>,
      %swap3A_152 = arith.index_cast %scan3A_77 : i32 to index
      %swap3A_153 = arith.constant 112 : index
      %swap3A_154 = tpu.vector_load %arg6[%swap3A_152, %swap3A_153] {strides = array<i32>} : memref<80x128xf32, #tpu.memory_space<vmem>>, vector<1x16xf32>,
      %swap3A_155 = vector.shape_cast %swap3A_154 : vector<1x16xf32> to vector<16xf32>
      %swap3A_156 = vector.shape_cast %broadcast_in_dim3A_2 : vector<16xf32> to vector<1x16xf32>
      tpu.vector_store %arg6[%swap3A_152, %swap3A_153], %swap3A_156 {strides = array<i32>} : memref<80x128xf32, #tpu.memory_space<vmem>>, vector<1x16xf32>,
    }
    %scan3A_7 = arith.constant 80 : i32
    %mul3A = arith.constant 640 : i32
    %mul3A_8 = arith.muli %arg1, %mul3A : i32
    %add3A = arith.constant 0 : i32
    %add3A_9 = arith.addi %mul3A_8, %add3A : i32
    "tpu.region"() ({
      %run_scoped3A = tpu.sem_alloc : memref<!tpu.dma_semaphore, #tpu.memory_space<semaphore_mem>>
      %dma_start3A = arith.constant 0 : i32
      %dma_start3A_77 = tpu.memref_slice %arg4[%add3A_9, %dma_start3A] : memref<10240x128xf32, #tpu.memory_space<vmem_shared>> -> memref<80x128xf32, #tpu.memory_space<vmem_shared>>
      %dma_start3A_78 = arith.constant 0 : i32
      %dma_start3A_79 = tpu.memref_slice %arg4[%add3A_9, %dma_start3A_78] : memref<10240x128xf32, #tpu.memory_space<vmem_shared>> -> memref<80x128xf32, #tpu.memory_space<vmem_shared>>
      tpu.enqueue_dma source(%arg7 : memref<80x128xf32, #tpu.memory_space<vmem>>) target(%dma_start3A_79 : memref<80x128xf32, #tpu.memory_space<vmem_shared>>) target_semaphore(%run_scoped3A : memref<!tpu.dma_semaphore, #tpu.memory_space<semaphore_mem>>)
      %dma_wait3A = arith.constant 0 : i32
      %dma_wait3A_80 = tpu.memref_slice %arg4[%add3A_9, %dma_wait3A] : memref<10240x128xf32, #tpu.memory_space<vmem_shared>> -> memref<80x128xf32, #tpu.memory_space<vmem_shared>>
      %dma_wait3A_81 = arith.constant 0 : i32
      %dma_wait3A_82 = tpu.memref_slice %arg4[%add3A_9, %dma_wait3A_81] : memref<10240x128xf32, #tpu.memory_space<vmem_shared>> -> memref<80x128xf32, #tpu.memory_space<vmem_shared>>
      tpu.wait_dma2 semaphore(%run_scoped3A : memref<!tpu.dma_semaphore, #tpu.memory_space<semaphore_mem>>) src(%arg7 : memref<80x128xf32, #tpu.memory_space<vmem>>) dst(%dma_wait3A_82 : memref<80x128xf32, #tpu.memory_space<vmem_shared>>)
      tpu.yield
    }) : () -> ()
    %mul3A_10 = arith.constant 640 : i32
    %mul3A_11 = arith.muli %arg1, %mul3A_10 : i32
    %add3A_12 = arith.constant 80 : i32
    %add3A_13 = arith.addi %mul3A_11, %add3A_12 : i32
    "tpu.region"() ({
      %run_scoped3A = tpu.sem_alloc : memref<!tpu.dma_semaphore, #tpu.memory_space<semaphore_mem>>
      %dma_start3A = arith.constant 0 : i32
      %dma_start3A_77 = tpu.memref_slice %arg4[%add3A_13, %dma_start3A] : memref<10240x128xf32, #tpu.memory_space<vmem_shared>> -> memref<80x128xf32, #tpu.memory_space<vmem_shared>>
      %dma_start3A_78 = arith.constant 0 : i32
      %dma_start3A_79 = tpu.memref_slice %arg4[%add3A_13, %dma_start3A_78] : memref<10240x128xf32, #tpu.memory_space<vmem_shared>> -> memref<80x128xf32, #tpu.memory_space<vmem_shared>>
      tpu.enqueue_dma source(%arg7 : memref<80x128xf32, #tpu.memory_space<vmem>>) target(%dma_start3A_79 : memref<80x128xf32, #tpu.memory_space<vmem_shared>>) target_semaphore(%run_scoped3A : memref<!tpu.dma_semaphore, #tpu.memory_space<semaphore_mem>>)
      %dma_wait3A = arith.constant 0 : i32
      %dma_wait3A_80 = tpu.memref_slice %arg4[%add3A_13, %dma_wait3A] : memref<10240x128xf32, #tpu.memory_space<vmem_shared>> -> memref<80x128xf32, #tpu.memory_space<vmem_shared>>
      %dma_wait3A_81 = arith.constant 0 : i32
      %dma_wait3A_82 = tpu.memref_slice %arg4[%add3A_13, %dma_wait3A_81] : memref<10240x128xf32, #tpu.memory_space<vmem_shared>> -> memref<80x128xf32, #tpu.memory_space<vmem_shared>>
      tpu.wait_dma2 semaphore(%run_scoped3A : memref<!tpu.dma_semaphore, #tpu.memory_space<semaphore_mem>>) src(%arg7 : memref<80x128xf32, #tpu.memory_space<vmem>>) dst(%dma_wait3A_82 : memref<80x128xf32, #tpu.memory_space<vmem_shared>>)
      tpu.yield
    }) : () -> ()
    %mul3A_14 = arith.constant 640 : i32
    %mul3A_15 = arith.muli %arg1, %mul3A_14 : i32
    %add3A_16 = arith.constant 160 : i32
    %add3A_17 = arith.addi %mul3A_15, %add3A_16 : i32
    "tpu.region"() ({
      %run_scoped3A = tpu.sem_alloc : memref<!tpu.dma_semaphore, #tpu.memory_space<semaphore_mem>>
      %dma_start3A = arith.constant 0 : i32
      %dma_start3A_77 = tpu.memref_slice %arg4[%add3A_17, %dma_start3A] : memref<10240x128xf32, #tpu.memory_space<vmem_shared>> -> memref<80x128xf32, #tpu.memory_space<vmem_shared>>
      %dma_start3A_78 = arith.constant 0 : i32
      %dma_start3A_79 = tpu.memref_slice %arg4[%add3A_17, %dma_start3A_78] : memref<10240x128xf32, #tpu.memory_space<vmem_shared>> -> memref<80x128xf32, #tpu.memory_space<vmem_shared>>
      tpu.enqueue_dma source(%arg7 : memref<80x128xf32, #tpu.memory_space<vmem>>) target(%dma_start3A_79 : memref<80x128xf32, #tpu.memory_space<vmem_shared>>) target_semaphore(%run_scoped3A : memref<!tpu.dma_semaphore, #tpu.memory_space<semaphore_mem>>)
      %dma_wait3A = arith.constant 0 : i32
      %dma_wait3A_80 = tpu.memref_slice %arg4[%add3A_17, %dma_wait3A] : memref<10240x128xf32, #tpu.memory_space<vmem_shared>> -> memref<80x128xf32, #tpu.memory_space<vmem_shared>>
      %dma_wait3A_81 = arith.constant 0 : i32
      %dma_wait3A_82 = tpu.memref_slice %arg4[%add3A_17, %dma_wait3A_81] : memref<10240x128xf32, #tpu.memory_space<vmem_shared>> -> memref<80x128xf32, #tpu.memory_space<vmem_shared>>
      tpu.wait_dma2 semaphore(%run_scoped3A : memref<!tpu.dma_semaphore, #tpu.memory_space<semaphore_mem>>) src(%arg7 : memref<80x128xf32, #tpu.memory_space<vmem>>) dst(%dma_wait3A_82 : memref<80x128xf32, #tpu.memory_space<vmem_shared>>)
      tpu.yield
    }) : () -> ()
    %mul3A_18 = arith.constant 640 : i32
    %mul3A_19 = arith.muli %arg1, %mul3A_18 : i32
    %add3A_20 = arith.constant 240 : i32
    %add3A_21 = arith.addi %mul3A_19, %add3A_20 : i32
    "tpu.region"() ({
      %run_scoped3A = tpu.sem_alloc : memref<!tpu.dma_semaphore, #tpu.memory_space<semaphore_mem>>
      %dma_start3A = arith.constant 0 : i32
      %dma_start3A_77 = tpu.memref_slice %arg4[%add3A_21, %dma_start3A] : memref<10240x128xf32, #tpu.memory_space<vmem_shared>> -> memref<80x128xf32, #tpu.memory_space<vmem_shared>>
      %dma_start3A_78 = arith.constant 0 : i32
      %dma_start3A_79 = tpu.memref_slice %arg4[%add3A_21, %dma_start3A_78] : memref<10240x128xf32, #tpu.memory_space<vmem_shared>> -> memref<80x128xf32, #tpu.memory_space<vmem_shared>>
      tpu.enqueue_dma source(%arg7 : memref<80x128xf32, #tpu.memory_space<vmem>>) target(%dma_start3A_79 : memref<80x128xf32, #tpu.memory_space<vmem_shared>>) target_semaphore(%run_scoped3A : memref<!tpu.dma_semaphore, #tpu.memory_space<semaphore_mem>>)
      %dma_wait3A = arith.constant 0 : i32
      %dma_wait3A_80 = tpu.memref_slice %arg4[%add3A_21, %dma_wait3A] : memref<10240x128xf32, #tpu.memory_space<vmem_shared>> -> memref<80x128xf32, #tpu.memory_space<vmem_shared>>
      %dma_wait3A_81 = arith.constant 0 : i32
      %dma_wait3A_82 = tpu.memref_slice %arg4[%add3A_21, %dma_wait3A_81] : memref<10240x128xf32, #tpu.memory_space<vmem_shared>> -> memref<80x128xf32, #tpu.memory_space<vmem_shared>>
      tpu.wait_dma2 semaphore(%run_scoped3A : memref<!tpu.dma_semaphore, #tpu.memory_space<semaphore_mem>>) src(%arg7 : memref<80x128xf32, #tpu.memory_space<vmem>>) dst(%dma_wait3A_82 : memref<80x128xf32, #tpu.memory_space<vmem_shared>>)
      tpu.yield
    }) : () -> ()
    %mul3A_22 = arith.constant 640 : i32
    %mul3A_23 = arith.muli %arg1, %mul3A_22 : i32
    %add3A_24 = arith.constant 320 : i32
    %add3A_25 = arith.addi %mul3A_23, %add3A_24 : i32
    "tpu.region"() ({
      %run_scoped3A = tpu.sem_alloc : memref<!tpu.dma_semaphore, #tpu.memory_space<semaphore_mem>>
      %dma_start3A = arith.constant 0 : i32
      %dma_start3A_77 = tpu.memref_slice %arg4[%add3A_25, %dma_start3A] : memref<10240x128xf32, #tpu.memory_space<vmem_shared>> -> memref<80x128xf32, #tpu.memory_space<vmem_shared>>
      %dma_start3A_78 = arith.constant 0 : i32
      %dma_start3A_79 = tpu.memref_slice %arg4[%add3A_25, %dma_start3A_78] : memref<10240x128xf32, #tpu.memory_space<vmem_shared>> -> memref<80x128xf32, #tpu.memory_space<vmem_shared>>
      tpu.enqueue_dma source(%arg7 : memref<80x128xf32, #tpu.memory_space<vmem>>) target(%dma_start3A_79 : memref<80x128xf32, #tpu.memory_space<vmem_shared>>) target_semaphore(%run_scoped3A : memref<!tpu.dma_semaphore, #tpu.memory_space<semaphore_mem>>)
      %dma_wait3A = arith.constant 0 : i32
      %dma_wait3A_80 = tpu.memref_slice %arg4[%add3A_25, %dma_wait3A] : memref<10240x128xf32, #tpu.memory_space<vmem_shared>> -> memref<80x128xf32, #tpu.memory_space<vmem_shared>>
      %dma_wait3A_81 = arith.constant 0 : i32
      %dma_wait3A_82 = tpu.memref_slice %arg4[%add3A_25, %dma_wait3A_81] : memref<10240x128xf32, #tpu.memory_space<vmem_shared>> -> memref<80x128xf32, #tpu.memory_space<vmem_shared>>
      tpu.wait_dma2 semaphore(%run_scoped3A : memref<!tpu.dma_semaphore, #tpu.memory_space<semaphore_mem>>) src(%arg7 : memref<80x128xf32, #tpu.memory_space<vmem>>) dst(%dma_wait3A_82 : memref<80x128xf32, #tpu.memory_space<vmem_shared>>)
      tpu.yield
    }) : () -> ()
    %mul3A_26 = arith.constant 640 : i32
    %mul3A_27 = arith.muli %arg1, %mul3A_26 : i32
    %add3A_28 = arith.constant 400 : i32
    %add3A_29 = arith.addi %mul3A_27, %add3A_28 : i32
    "tpu.region"() ({
      %run_scoped3A = tpu.sem_alloc : memref<!tpu.dma_semaphore, #tpu.memory_space<semaphore_mem>>
      %dma_start3A = arith.constant 0 : i32
      %dma_start3A_77 = tpu.memref_slice %arg4[%add3A_29, %dma_start3A] : memref<10240x128xf32, #tpu.memory_space<vmem_shared>> -> memref<80x128xf32, #tpu.memory_space<vmem_shared>>
      %dma_start3A_78 = arith.constant 0 : i32
      %dma_start3A_79 = tpu.memref_slice %arg4[%add3A_29, %dma_start3A_78] : memref<10240x128xf32, #tpu.memory_space<vmem_shared>> -> memref<80x128xf32, #tpu.memory_space<vmem_shared>>
      tpu.enqueue_dma source(%arg7 : memref<80x128xf32, #tpu.memory_space<vmem>>) target(%dma_start3A_79 : memref<80x128xf32, #tpu.memory_space<vmem_shared>>) target_semaphore(%run_scoped3A : memref<!tpu.dma_semaphore, #tpu.memory_space<semaphore_mem>>)
      %dma_wait3A = arith.constant 0 : i32
      %dma_wait3A_80 = tpu.memref_slice %arg4[%add3A_29, %dma_wait3A] : memref<10240x128xf32, #tpu.memory_space<vmem_shared>> -> memref<80x128xf32, #tpu.memory_space<vmem_shared>>
      %dma_wait3A_81 = arith.constant 0 : i32
      %dma_wait3A_82 = tpu.memref_slice %arg4[%add3A_29, %dma_wait3A_81] : memref<10240x128xf32, #tpu.memory_space<vmem_shared>> -> memref<80x128xf32, #tpu.memory_space<vmem_shared>>
      tpu.wait_dma2 semaphore(%run_scoped3A : memref<!tpu.dma_semaphore, #tpu.memory_space<semaphore_mem>>) src(%arg7 : memref<80x128xf32, #tpu.memory_space<vmem>>) dst(%dma_wait3A_82 : memref<80x128xf32, #tpu.memory_space<vmem_shared>>)
      tpu.yield
    }) : () -> ()
    %mul3A_30 = arith.constant 640 : i32
    %mul3A_31 = arith.muli %arg1, %mul3A_30 : i32
    %add3A_32 = arith.constant 480 : i32
    %add3A_33 = arith.addi %mul3A_31, %add3A_32 : i32
    "tpu.region"() ({
      %run_scoped3A = tpu.sem_alloc : memref<!tpu.dma_semaphore, #tpu.memory_space<semaphore_mem>>
      %dma_start3A = arith.constant 0 : i32
      %dma_start3A_77 = tpu.memref_slice %arg4[%add3A_33, %dma_start3A] : memref<10240x128xf32, #tpu.memory_space<vmem_shared>> -> memref<80x128xf32, #tpu.memory_space<vmem_shared>>
      %dma_start3A_78 = arith.constant 0 : i32
      %dma_start3A_79 = tpu.memref_slice %arg4[%add3A_33, %dma_start3A_78] : memref<10240x128xf32, #tpu.memory_space<vmem_shared>> -> memref<80x128xf32, #tpu.memory_space<vmem_shared>>
      tpu.enqueue_dma source(%arg7 : memref<80x128xf32, #tpu.memory_space<vmem>>) target(%dma_start3A_79 : memref<80x128xf32, #tpu.memory_space<vmem_shared>>) target_semaphore(%run_scoped3A : memref<!tpu.dma_semaphore, #tpu.memory_space<semaphore_mem>>)
      %dma_wait3A = arith.constant 0 : i32
      %dma_wait3A_80 = tpu.memref_slice %arg4[%add3A_33, %dma_wait3A] : memref<10240x128xf32, #tpu.memory_space<vmem_shared>> -> memref<80x128xf32, #tpu.memory_space<vmem_shared>>
      %dma_wait3A_81 = arith.constant 0 : i32
      %dma_wait3A_82 = tpu.memref_slice %arg4[%add3A_33, %dma_wait3A_81] : memref<10240x128xf32, #tpu.memory_space<vmem_shared>> -> memref<80x128xf32, #tpu.memory_space<vmem_shared>>
      tpu.wait_dma2 semaphore(%run_scoped3A : memref<!tpu.dma_semaphore, #tpu.memory_space<semaphore_mem>>) src(%arg7 : memref<80x128xf32, #tpu.memory_space<vmem>>) dst(%dma_wait3A_82 : memref<80x128xf32, #tpu.memory_space<vmem_shared>>)
      tpu.yield
    }) : () -> ()
    %mul3A_34 = arith.constant 640 : i32
    %mul3A_35 = arith.muli %arg1, %mul3A_34 : i32
    %add3A_36 = arith.constant 560 : i32
    %add3A_37 = arith.addi %mul3A_35, %add3A_36 : i32
    "tpu.region"() ({
      %run_scoped3A = tpu.sem_alloc : memref<!tpu.dma_semaphore, #tpu.memory_space<semaphore_mem>>
      %dma_start3A = arith.constant 0 : i32
      %dma_start3A_77 = tpu.memref_slice %arg4[%add3A_37, %dma_start3A] : memref<10240x128xf32, #tpu.memory_space<vmem_shared>> -> memref<80x128xf32, #tpu.memory_space<vmem_shared>>
      %dma_start3A_78 = arith.constant 0 : i32
      %dma_start3A_79 = tpu.memref_slice %arg4[%add3A_37, %dma_start3A_78] : memref<10240x128xf32, #tpu.memory_space<vmem_shared>> -> memref<80x128xf32, #tpu.memory_space<vmem_shared>>
      tpu.enqueue_dma source(%arg7 : memref<80x128xf32, #tpu.memory_space<vmem>>) target(%dma_start3A_79 : memref<80x128xf32, #tpu.memory_space<vmem_shared>>) target_semaphore(%run_scoped3A : memref<!tpu.dma_semaphore, #tpu.memory_space<semaphore_mem>>)
      %dma_wait3A = arith.constant 0 : i32
      %dma_wait3A_80 = tpu.memref_slice %arg4[%add3A_37, %dma_wait3A] : memref<10240x128xf32, #tpu.memory_space<vmem_shared>> -> memref<80x128xf32, #tpu.memory_space<vmem_shared>>
      %dma_wait3A_81 = arith.constant 0 : i32
      %dma_wait3A_82 = tpu.memref_slice %arg4[%add3A_37, %dma_wait3A_81] : memref<10240x128xf32, #tpu.memory_space<vmem_shared>> -> memref<80x128xf32, #tpu.memory_space<vmem_shared>>
      tpu.wait_dma2 semaphore(%run_scoped3A : memref<!tpu.dma_semaphore, #tpu.memory_space<semaphore_mem>>) src(%arg7 : memref<80x128xf32, #tpu.memory_space<vmem>>) dst(%dma_wait3A_82 : memref<80x128xf32, #tpu.memory_space<vmem_shared>>)
      tpu.yield
    }) : () -> ()
    %barrier3A = arith.constant 0 : index
    tpu.barrier barrier_id(%barrier3A)
    %scan3A_38 = arith.constant 0 : i32
    %scan3A_39 = arith.constant 0 : i32
    %scan3A_40 = arith.constant 125 : i32
    %scan3A_41 = arith.addi %scan3A_39, %scan3A_40 : i32
    %scan3A_42 = arith.constant 1 : i32
    scf.for %scan3A_77 = %scan3A_39 to %scan3A_41 step %scan3A_42  : i32 {
      %mul3A_78 = arith.constant 160000 : i32
      %mul3A_79 = arith.muli %arg0, %mul3A_78 : i32
      %mul3A_80 = arith.constant 10000 : i32
      %mul3A_81 = arith.muli %arg1, %mul3A_80 : i32
      %add3A_82 = arith.addi %mul3A_79, %mul3A_81 : i32
      %mul3A_83 = arith.constant 80 : i32
      %mul3A_84 = arith.muli %scan3A_77, %mul3A_83 : i32
      %add3A_85 = arith.addi %add3A_82, %mul3A_84 : i32
      "tpu.region"() ({
        %run_scoped3A = tpu.sem_alloc : memref<!tpu.dma_semaphore, #tpu.memory_space<semaphore_mem>>
        %dma_start3A = tpu.memref_slice %arg2[%add3A_85] : memref<320000xi32, #tpu.memory_space<hbm>> -> memref<80xi32, #tpu.memory_space<hbm>>
        %dma_start3A_86 = tpu.memref_slice %arg2[%add3A_85] : memref<320000xi32, #tpu.memory_space<hbm>> -> memref<80xi32, #tpu.memory_space<hbm>>
        tpu.enqueue_dma source(%dma_start3A_86 : memref<80xi32, #tpu.memory_space<hbm>>) target(%arg5 : memref<80xi32, #tpu.memory_space<vmem>>) target_semaphore(%run_scoped3A : memref<!tpu.dma_semaphore, #tpu.memory_space<semaphore_mem>>)
        %dma_wait3A = tpu.memref_slice %arg2[%add3A_85] : memref<320000xi32, #tpu.memory_space<hbm>> -> memref<80xi32, #tpu.memory_space<hbm>>
        %dma_wait3A_87 = tpu.memref_slice %arg2[%add3A_85] : memref<320000xi32, #tpu.memory_space<hbm>> -> memref<80xi32, #tpu.memory_space<hbm>>
        tpu.wait_dma2 semaphore(%run_scoped3A : memref<!tpu.dma_semaphore, #tpu.memory_space<semaphore_mem>>) src(%dma_wait3A_87 : memref<80xi32, #tpu.memory_space<hbm>>) dst(%arg5 : memref<80xi32, #tpu.memory_space<vmem>>)
        tpu.yield
      }) : () -> ()
      "tpu.region"() ({
        %run_scoped3A = tpu.sem_alloc : memref<!tpu.dma_semaphore, #tpu.memory_space<semaphore_mem>>
        %dma_start3A = arith.constant 0 : i32
        %dma_start3A_86 = arith.constant 0 : i32
        %dma_start3A_87 = tpu.memref_slice %arg4[%dma_start3A, %dma_start3A_86] : memref<10240x128xf32, #tpu.memory_space<vmem_shared>> -> memref<10240x128xf32, #tpu.memory_space<vmem_shared>>
        tpu.enqueue_indirect_dma source(%arg6 : memref<80x128xf32, #tpu.memory_space<vmem>>) target(%dma_start3A_87 : memref<10240x128xf32, #tpu.memory_space<vmem_shared>>) offsets(%arg5 : memref<80xi32, #tpu.memory_space<vmem>>) semaphore(%run_scoped3A : memref<!tpu.dma_semaphore, #tpu.memory_space<semaphore_mem>>) {add = true}
        %dma_wait3A = arith.constant 0 : i32
        %dma_wait3A_88 = arith.constant 0 : i32
        %dma_wait3A_89 = tpu.memref_slice %arg4[%dma_wait3A, %dma_wait3A_88] : memref<10240x128xf32, #tpu.memory_space<vmem_shared>> -> memref<10240x128xf32, #tpu.memory_space<vmem_shared>>
        tpu.wait_indirect_dma semaphore(%run_scoped3A : memref<!tpu.dma_semaphore, #tpu.memory_space<semaphore_mem>>) src(%arg6 : memref<80x128xf32, #tpu.memory_space<vmem>>) dst(%dma_wait3A_89 : memref<10240x128xf32, #tpu.memory_space<vmem_shared>>)
        tpu.yield
      }) : () -> ()
    }
    %scan3A_43 = arith.constant 125 : i32
    %barrier3A_44 = arith.constant 0 : index
    tpu.barrier barrier_id(%barrier3A_44)
    %mul3A_45 = arith.constant 640 : i32
    %mul3A_46 = arith.muli %arg1, %mul3A_45 : i32
    %add3A_47 = arith.constant 0 : i32
    %add3A_48 = arith.addi %mul3A_46, %add3A_47 : i32
    "tpu.region"() ({
      %run_scoped3A = tpu.sem_alloc : memref<!tpu.dma_semaphore, #tpu.memory_space<semaphore_mem>>
      %dma_start3A = arith.constant 0 : i32
      %dma_start3A_77 = tpu.memref_slice %arg4[%add3A_48, %dma_start3A] : memref<10240x128xf32, #tpu.memory_space<vmem_shared>> -> memref<80x128xf32, #tpu.memory_space<vmem_shared>>
      %dma_start3A_78 = arith.constant 0 : i32
      %dma_start3A_79 = tpu.memref_slice %arg4[%add3A_48, %dma_start3A_78] : memref<10240x128xf32, #tpu.memory_space<vmem_shared>> -> memref<80x128xf32, #tpu.memory_space<vmem_shared>>
      tpu.enqueue_dma source(%dma_start3A_79 : memref<80x128xf32, #tpu.memory_space<vmem_shared>>) target(%arg7 : memref<80x128xf32, #tpu.memory_space<vmem>>) target_semaphore(%run_scoped3A : memref<!tpu.dma_semaphore, #tpu.memory_space<semaphore_mem>>)
      %dma_wait3A = arith.constant 0 : i32
      %dma_wait3A_80 = tpu.memref_slice %arg4[%add3A_48, %dma_wait3A] : memref<10240x128xf32, #tpu.memory_space<vmem_shared>> -> memref<80x128xf32, #tpu.memory_space<vmem_shared>>
      %dma_wait3A_81 = arith.constant 0 : i32
      %dma_wait3A_82 = tpu.memref_slice %arg4[%add3A_48, %dma_wait3A_81] : memref<10240x128xf32, #tpu.memory_space<vmem_shared>> -> memref<80x128xf32, #tpu.memory_space<vmem_shared>>
      tpu.wait_dma2 semaphore(%run_scoped3A : memref<!tpu.dma_semaphore, #tpu.memory_space<semaphore_mem>>) src(%dma_wait3A_82 : memref<80x128xf32, #tpu.memory_space<vmem_shared>>) dst(%arg7 : memref<80x128xf32, #tpu.memory_space<vmem>>)
      tpu.yield
    }) : () -> ()
    "tpu.region"() ({
      %run_scoped3A = tpu.sem_alloc : memref<!tpu.dma_semaphore, #tpu.memory_space<semaphore_mem>>
      %dma_start3A = arith.constant 0 : i32
      %dma_start3A_77 = tpu.memref_slice %arg3[%arg0, %add3A_48, %dma_start3A] : memref<2x10240x128xf32, #tpu.memory_space<hbm>> -> memref<1x80x128xf32, #tpu.memory_space<hbm>>
      %dma_start3A_78 = tpu.memref_squeeze %dma_start3A_77 : memref<1x80x128xf32, #tpu.memory_space<hbm>> -> memref<80x128xf32, #tpu.memory_space<hbm>>
      %dma_start3A_79 = arith.constant 0 : i32
      %dma_start3A_80 = tpu.memref_slice %arg3[%arg0, %add3A_48, %dma_start3A_79] : memref<2x10240x128xf32, #tpu.memory_space<hbm>> -> memref<1x80x128xf32, #tpu.memory_space<hbm>>
      %dma_start3A_81 = tpu.memref_squeeze %dma_start3A_80 : memref<1x80x128xf32, #tpu.memory_space<hbm>> -> memref<80x128xf32, #tpu.memory_space<hbm>>
      tpu.enqueue_dma source(%arg7 : memref<80x128xf32, #tpu.memory_space<vmem>>) target(%dma_start3A_81 : memref<80x128xf32, #tpu.memory_space<hbm>>) target_semaphore(%run_scoped3A : memref<!tpu.dma_semaphore, #tpu.memory_space<semaphore_mem>>)
      %dma_wait3A = arith.constant 0 : i32
      %dma_wait3A_82 = tpu.memref_slice %arg3[%arg0, %add3A_48, %dma_wait3A] : memref<2x10240x128xf32, #tpu.memory_space<hbm>> -> memref<1x80x128xf32, #tpu.memory_space<hbm>>
      %dma_wait3A_83 = tpu.memref_squeeze %dma_wait3A_82 : memref<1x80x128xf32, #tpu.memory_space<hbm>> -> memref<80x128xf32, #tpu.memory_space<hbm>>
      %dma_wait3A_84 = arith.constant 0 : i32
      %dma_wait3A_85 = tpu.memref_slice %arg3[%arg0, %add3A_48, %dma_wait3A_84] : memref<2x10240x128xf32, #tpu.memory_space<hbm>> -> memref<1x80x128xf32, #tpu.memory_space<hbm>>
      %dma_wait3A_86 = tpu.memref_squeeze %dma_wait3A_85 : memref<1x80x128xf32, #tpu.memory_space<hbm>> -> memref<80x128xf32, #tpu.memory_space<hbm>>
      tpu.wait_dma2 semaphore(%run_scoped3A : memref<!tpu.dma_semaphore, #tpu.memory_space<semaphore_mem>>) src(%arg7 : memref<80x128xf32, #tpu.memory_space<vmem>>) dst(%dma_wait3A_86 : memref<80x128xf32, #tpu.memory_space<hbm>>)
      tpu.yield
    }) : () -> ()
    %mul3A_49 = arith.constant 640 : i32
    %mul3A_50 = arith.muli %arg1, %mul3A_49 : i32
    %add3A_51 = arith.constant 80 : i32
    %add3A_52 = arith.addi %mul3A_50, %add3A_51 : i32
    "tpu.region"() ({
      %run_scoped3A = tpu.sem_alloc : memref<!tpu.dma_semaphore, #tpu.memory_space<semaphore_mem>>
      %dma_start3A = arith.constant 0 : i32
      %dma_start3A_77 = tpu.memref_slice %arg4[%add3A_52, %dma_start3A] : memref<10240x128xf32, #tpu.memory_space<vmem_shared>> -> memref<80x128xf32, #tpu.memory_space<vmem_shared>>
      %dma_start3A_78 = arith.constant 0 : i32
      %dma_start3A_79 = tpu.memref_slice %arg4[%add3A_52, %dma_start3A_78] : memref<10240x128xf32, #tpu.memory_space<vmem_shared>> -> memref<80x128xf32, #tpu.memory_space<vmem_shared>>
      tpu.enqueue_dma source(%dma_start3A_79 : memref<80x128xf32, #tpu.memory_space<vmem_shared>>) target(%arg7 : memref<80x128xf32, #tpu.memory_space<vmem>>) target_semaphore(%run_scoped3A : memref<!tpu.dma_semaphore, #tpu.memory_space<semaphore_mem>>)
      %dma_wait3A = arith.constant 0 : i32
      %dma_wait3A_80 = tpu.memref_slice %arg4[%add3A_52, %dma_wait3A] : memref<10240x128xf32, #tpu.memory_space<vmem_shared>> -> memref<80x128xf32, #tpu.memory_space<vmem_shared>>
      %dma_wait3A_81 = arith.constant 0 : i32
      %dma_wait3A_82 = tpu.memref_slice %arg4[%add3A_52, %dma_wait3A_81] : memref<10240x128xf32, #tpu.memory_space<vmem_shared>> -> memref<80x128xf32, #tpu.memory_space<vmem_shared>>
      tpu.wait_dma2 semaphore(%run_scoped3A : memref<!tpu.dma_semaphore, #tpu.memory_space<semaphore_mem>>) src(%dma_wait3A_82 : memref<80x128xf32, #tpu.memory_space<vmem_shared>>) dst(%arg7 : memref<80x128xf32, #tpu.memory_space<vmem>>)
      tpu.yield
    }) : () -> ()
    "tpu.region"() ({
      %run_scoped3A = tpu.sem_alloc : memref<!tpu.dma_semaphore, #tpu.memory_space<semaphore_mem>>
      %dma_start3A = arith.constant 0 : i32
      %dma_start3A_77 = tpu.memref_slice %arg3[%arg0, %add3A_52, %dma_start3A] : memref<2x10240x128xf32, #tpu.memory_space<hbm>> -> memref<1x80x128xf32, #tpu.memory_space<hbm>>
      %dma_start3A_78 = tpu.memref_squeeze %dma_start3A_77 : memref<1x80x128xf32, #tpu.memory_space<hbm>> -> memref<80x128xf32, #tpu.memory_space<hbm>>
      %dma_start3A_79 = arith.constant 0 : i32
      %dma_start3A_80 = tpu.memref_slice %arg3[%arg0, %add3A_52, %dma_start3A_79] : memref<2x10240x128xf32, #tpu.memory_space<hbm>> -> memref<1x80x128xf32, #tpu.memory_space<hbm>>
      %dma_start3A_81 = tpu.memref_squeeze %dma_start3A_80 : memref<1x80x128xf32, #tpu.memory_space<hbm>> -> memref<80x128xf32, #tpu.memory_space<hbm>>
      tpu.enqueue_dma source(%arg7 : memref<80x128xf32, #tpu.memory_space<vmem>>) target(%dma_start3A_81 : memref<80x128xf32, #tpu.memory_space<hbm>>) target_semaphore(%run_scoped3A : memref<!tpu.dma_semaphore, #tpu.memory_space<semaphore_mem>>)
      %dma_wait3A = arith.constant 0 : i32
      %dma_wait3A_82 = tpu.memref_slice %arg3[%arg0, %add3A_52, %dma_wait3A] : memref<2x10240x128xf32, #tpu.memory_space<hbm>> -> memref<1x80x128xf32, #tpu.memory_space<hbm>>
      %dma_wait3A_83 = tpu.memref_squeeze %dma_wait3A_82 : memref<1x80x128xf32, #tpu.memory_space<hbm>> -> memref<80x128xf32, #tpu.memory_space<hbm>>
      %dma_wait3A_84 = arith.constant 0 : i32
      %dma_wait3A_85 = tpu.memref_slice %arg3[%arg0, %add3A_52, %dma_wait3A_84] : memref<2x10240x128xf32, #tpu.memory_space<hbm>> -> memref<1x80x128xf32, #tpu.memory_space<hbm>>
      %dma_wait3A_86 = tpu.memref_squeeze %dma_wait3A_85 : memref<1x80x128xf32, #tpu.memory_space<hbm>> -> memref<80x128xf32, #tpu.memory_space<hbm>>
      tpu.wait_dma2 semaphore(%run_scoped3A : memref<!tpu.dma_semaphore, #tpu.memory_space<semaphore_mem>>) src(%arg7 : memref<80x128xf32, #tpu.memory_space<vmem>>) dst(%dma_wait3A_86 : memref<80x128xf32, #tpu.memory_space<hbm>>)
      tpu.yield
    }) : () -> ()
    %mul3A_53 = arith.constant 640 : i32
    %mul3A_54 = arith.muli %arg1, %mul3A_53 : i32
    %add3A_55 = arith.constant 160 : i32
    %add3A_56 = arith.addi %mul3A_54, %add3A_55 : i32
    "tpu.region"() ({
      %run_scoped3A = tpu.sem_alloc : memref<!tpu.dma_semaphore, #tpu.memory_space<semaphore_mem>>
      %dma_start3A = arith.constant 0 : i32
      %dma_start3A_77 = tpu.memref_slice %arg4[%add3A_56, %dma_start3A] : memref<10240x128xf32, #tpu.memory_space<vmem_shared>> -> memref<80x128xf32, #tpu.memory_space<vmem_shared>>
      %dma_start3A_78 = arith.constant 0 : i32
      %dma_start3A_79 = tpu.memref_slice %arg4[%add3A_56, %dma_start3A_78] : memref<10240x128xf32, #tpu.memory_space<vmem_shared>> -> memref<80x128xf32, #tpu.memory_space<vmem_shared>>
      tpu.enqueue_dma source(%dma_start3A_79 : memref<80x128xf32, #tpu.memory_space<vmem_shared>>) target(%arg7 : memref<80x128xf32, #tpu.memory_space<vmem>>) target_semaphore(%run_scoped3A : memref<!tpu.dma_semaphore, #tpu.memory_space<semaphore_mem>>)
      %dma_wait3A = arith.constant 0 : i32
      %dma_wait3A_80 = tpu.memref_slice %arg4[%add3A_56, %dma_wait3A] : memref<10240x128xf32, #tpu.memory_space<vmem_shared>> -> memref<80x128xf32, #tpu.memory_space<vmem_shared>>
      %dma_wait3A_81 = arith.constant 0 : i32
      %dma_wait3A_82 = tpu.memref_slice %arg4[%add3A_56, %dma_wait3A_81] : memref<10240x128xf32, #tpu.memory_space<vmem_shared>> -> memref<80x128xf32, #tpu.memory_space<vmem_shared>>
      tpu.wait_dma2 semaphore(%run_scoped3A : memref<!tpu.dma_semaphore, #tpu.memory_space<semaphore_mem>>) src(%dma_wait3A_82 : memref<80x128xf32, #tpu.memory_space<vmem_shared>>) dst(%arg7 : memref<80x128xf32, #tpu.memory_space<vmem>>)
      tpu.yield
    }) : () -> ()
    "tpu.region"() ({
      %run_scoped3A = tpu.sem_alloc : memref<!tpu.dma_semaphore, #tpu.memory_space<semaphore_mem>>
      %dma_start3A = arith.constant 0 : i32
      %dma_start3A_77 = tpu.memref_slice %arg3[%arg0, %add3A_56, %dma_start3A] : memref<2x10240x128xf32, #tpu.memory_space<hbm>> -> memref<1x80x128xf32, #tpu.memory_space<hbm>>
      %dma_start3A_78 = tpu.memref_squeeze %dma_start3A_77 : memref<1x80x128xf32, #tpu.memory_space<hbm>> -> memref<80x128xf32, #tpu.memory_space<hbm>>
      %dma_start3A_79 = arith.constant 0 : i32
      %dma_start3A_80 = tpu.memref_slice %arg3[%arg0, %add3A_56, %dma_start3A_79] : memref<2x10240x128xf32, #tpu.memory_space<hbm>> -> memref<1x80x128xf32, #tpu.memory_space<hbm>>
      %dma_start3A_81 = tpu.memref_squeeze %dma_start3A_80 : memref<1x80x128xf32, #tpu.memory_space<hbm>> -> memref<80x128xf32, #tpu.memory_space<hbm>>
      tpu.enqueue_dma source(%arg7 : memref<80x128xf32, #tpu.memory_space<vmem>>) target(%dma_start3A_81 : memref<80x128xf32, #tpu.memory_space<hbm>>) target_semaphore(%run_scoped3A : memref<!tpu.dma_semaphore, #tpu.memory_space<semaphore_mem>>)
      %dma_wait3A = arith.constant 0 : i32
      %dma_wait3A_82 = tpu.memref_slice %arg3[%arg0, %add3A_56, %dma_wait3A] : memref<2x10240x128xf32, #tpu.memory_space<hbm>> -> memref<1x80x128xf32, #tpu.memory_space<hbm>>
      %dma_wait3A_83 = tpu.memref_squeeze %dma_wait3A_82 : memref<1x80x128xf32, #tpu.memory_space<hbm>> -> memref<80x128xf32, #tpu.memory_space<hbm>>
      %dma_wait3A_84 = arith.constant 0 : i32
      %dma_wait3A_85 = tpu.memref_slice %arg3[%arg0, %add3A_56, %dma_wait3A_84] : memref<2x10240x128xf32, #tpu.memory_space<hbm>> -> memref<1x80x128xf32, #tpu.memory_space<hbm>>
      %dma_wait3A_86 = tpu.memref_squeeze %dma_wait3A_85 : memref<1x80x128xf32, #tpu.memory_space<hbm>> -> memref<80x128xf32, #tpu.memory_space<hbm>>
      tpu.wait_dma2 semaphore(%run_scoped3A : memref<!tpu.dma_semaphore, #tpu.memory_space<semaphore_mem>>) src(%arg7 : memref<80x128xf32, #tpu.memory_space<vmem>>) dst(%dma_wait3A_86 : memref<80x128xf32, #tpu.memory_space<hbm>>)
      tpu.yield
    }) : () -> ()
    %mul3A_57 = arith.constant 640 : i32
    %mul3A_58 = arith.muli %arg1, %mul3A_57 : i32
    %add3A_59 = arith.constant 240 : i32
    %add3A_60 = arith.addi %mul3A_58, %add3A_59 : i32
    "tpu.region"() ({
      %run_scoped3A = tpu.sem_alloc : memref<!tpu.dma_semaphore, #tpu.memory_space<semaphore_mem>>
      %dma_start3A = arith.constant 0 : i32
      %dma_start3A_77 = tpu.memref_slice %arg4[%add3A_60, %dma_start3A] : memref<10240x128xf32, #tpu.memory_space<vmem_shared>> -> memref<80x128xf32, #tpu.memory_space<vmem_shared>>
      %dma_start3A_78 = arith.constant 0 : i32
      %dma_start3A_79 = tpu.memref_slice %arg4[%add3A_60, %dma_start3A_78] : memref<10240x128xf32, #tpu.memory_space<vmem_shared>> -> memref<80x128xf32, #tpu.memory_space<vmem_shared>>
      tpu.enqueue_dma source(%dma_start3A_79 : memref<80x128xf32, #tpu.memory_space<vmem_shared>>) target(%arg7 : memref<80x128xf32, #tpu.memory_space<vmem>>) target_semaphore(%run_scoped3A : memref<!tpu.dma_semaphore, #tpu.memory_space<semaphore_mem>>)
      %dma_wait3A = arith.constant 0 : i32
      %dma_wait3A_80 = tpu.memref_slice %arg4[%add3A_60, %dma_wait3A] : memref<10240x128xf32, #tpu.memory_space<vmem_shared>> -> memref<80x128xf32, #tpu.memory_space<vmem_shared>>
      %dma_wait3A_81 = arith.constant 0 : i32
      %dma_wait3A_82 = tpu.memref_slice %arg4[%add3A_60, %dma_wait3A_81] : memref<10240x128xf32, #tpu.memory_space<vmem_shared>> -> memref<80x128xf32, #tpu.memory_space<vmem_shared>>
      tpu.wait_dma2 semaphore(%run_scoped3A : memref<!tpu.dma_semaphore, #tpu.memory_space<semaphore_mem>>) src(%dma_wait3A_82 : memref<80x128xf32, #tpu.memory_space<vmem_shared>>) dst(%arg7 : memref<80x128xf32, #tpu.memory_space<vmem>>)
      tpu.yield
    }) : () -> ()
    "tpu.region"() ({
      %run_scoped3A = tpu.sem_alloc : memref<!tpu.dma_semaphore, #tpu.memory_space<semaphore_mem>>
      %dma_start3A = arith.constant 0 : i32
      %dma_start3A_77 = tpu.memref_slice %arg3[%arg0, %add3A_60, %dma_start3A] : memref<2x10240x128xf32, #tpu.memory_space<hbm>> -> memref<1x80x128xf32, #tpu.memory_space<hbm>>
      %dma_start3A_78 = tpu.memref_squeeze %dma_start3A_77 : memref<1x80x128xf32, #tpu.memory_space<hbm>> -> memref<80x128xf32, #tpu.memory_space<hbm>>
      %dma_start3A_79 = arith.constant 0 : i32
      %dma_start3A_80 = tpu.memref_slice %arg3[%arg0, %add3A_60, %dma_start3A_79] : memref<2x10240x128xf32, #tpu.memory_space<hbm>> -> memref<1x80x128xf32, #tpu.memory_space<hbm>>
      %dma_start3A_81 = tpu.memref_squeeze %dma_start3A_80 : memref<1x80x128xf32, #tpu.memory_space<hbm>> -> memref<80x128xf32, #tpu.memory_space<hbm>>
      tpu.enqueue_dma source(%arg7 : memref<80x128xf32, #tpu.memory_space<vmem>>) target(%dma_start3A_81 : memref<80x128xf32, #tpu.memory_space<hbm>>) target_semaphore(%run_scoped3A : memref<!tpu.dma_semaphore, #tpu.memory_space<semaphore_mem>>)
      %dma_wait3A = arith.constant 0 : i32
      %dma_wait3A_82 = tpu.memref_slice %arg3[%arg0, %add3A_60, %dma_wait3A] : memref<2x10240x128xf32, #tpu.memory_space<hbm>> -> memref<1x80x128xf32, #tpu.memory_space<hbm>>
      %dma_wait3A_83 = tpu.memref_squeeze %dma_wait3A_82 : memref<1x80x128xf32, #tpu.memory_space<hbm>> -> memref<80x128xf32, #tpu.memory_space<hbm>>
      %dma_wait3A_84 = arith.constant 0 : i32
      %dma_wait3A_85 = tpu.memref_slice %arg3[%arg0, %add3A_60, %dma_wait3A_84] : memref<2x10240x128xf32, #tpu.memory_space<hbm>> -> memref<1x80x128xf32, #tpu.memory_space<hbm>>
      %dma_wait3A_86 = tpu.memref_squeeze %dma_wait3A_85 : memref<1x80x128xf32, #tpu.memory_space<hbm>> -> memref<80x128xf32, #tpu.memory_space<hbm>>
      tpu.wait_dma2 semaphore(%run_scoped3A : memref<!tpu.dma_semaphore, #tpu.memory_space<semaphore_mem>>) src(%arg7 : memref<80x128xf32, #tpu.memory_space<vmem>>) dst(%dma_wait3A_86 : memref<80x128xf32, #tpu.memory_space<hbm>>)
      tpu.yield
    }) : () -> ()
    %mul3A_61 = arith.constant 640 : i32
    %mul3A_62 = arith.muli %arg1, %mul3A_61 : i32
    %add3A_63 = arith.constant 320 : i32
    %add3A_64 = arith.addi %mul3A_62, %add3A_63 : i32
    "tpu.region"() ({
      %run_scoped3A = tpu.sem_alloc : memref<!tpu.dma_semaphore, #tpu.memory_space<semaphore_mem>>
      %dma_start3A = arith.constant 0 : i32
      %dma_start3A_77 = tpu.memref_slice %arg4[%add3A_64, %dma_start3A] : memref<10240x128xf32, #tpu.memory_space<vmem_shared>> -> memref<80x128xf32, #tpu.memory_space<vmem_shared>>
      %dma_start3A_78 = arith.constant 0 : i32
      %dma_start3A_79 = tpu.memref_slice %arg4[%add3A_64, %dma_start3A_78] : memref<10240x128xf32, #tpu.memory_space<vmem_shared>> -> memref<80x128xf32, #tpu.memory_space<vmem_shared>>
      tpu.enqueue_dma source(%dma_start3A_79 : memref<80x128xf32, #tpu.memory_space<vmem_shared>>) target(%arg7 : memref<80x128xf32, #tpu.memory_space<vmem>>) target_semaphore(%run_scoped3A : memref<!tpu.dma_semaphore, #tpu.memory_space<semaphore_mem>>)
      %dma_wait3A = arith.constant 0 : i32
      %dma_wait3A_80 = tpu.memref_slice %arg4[%add3A_64, %dma_wait3A] : memref<10240x128xf32, #tpu.memory_space<vmem_shared>> -> memref<80x128xf32, #tpu.memory_space<vmem_shared>>
      %dma_wait3A_81 = arith.constant 0 : i32
      %dma_wait3A_82 = tpu.memref_slice %arg4[%add3A_64, %dma_wait3A_81] : memref<10240x128xf32, #tpu.memory_space<vmem_shared>> -> memref<80x128xf32, #tpu.memory_space<vmem_shared>>
      tpu.wait_dma2 semaphore(%run_scoped3A : memref<!tpu.dma_semaphore, #tpu.memory_space<semaphore_mem>>) src(%dma_wait3A_82 : memref<80x128xf32, #tpu.memory_space<vmem_shared>>) dst(%arg7 : memref<80x128xf32, #tpu.memory_space<vmem>>)
      tpu.yield
    }) : () -> ()
    "tpu.region"() ({
      %run_scoped3A = tpu.sem_alloc : memref<!tpu.dma_semaphore, #tpu.memory_space<semaphore_mem>>
      %dma_start3A = arith.constant 0 : i32
      %dma_start3A_77 = tpu.memref_slice %arg3[%arg0, %add3A_64, %dma_start3A] : memref<2x10240x128xf32, #tpu.memory_space<hbm>> -> memref<1x80x128xf32, #tpu.memory_space<hbm>>
      %dma_start3A_78 = tpu.memref_squeeze %dma_start3A_77 : memref<1x80x128xf32, #tpu.memory_space<hbm>> -> memref<80x128xf32, #tpu.memory_space<hbm>>
      %dma_start3A_79 = arith.constant 0 : i32
      %dma_start3A_80 = tpu.memref_slice %arg3[%arg0, %add3A_64, %dma_start3A_79] : memref<2x10240x128xf32, #tpu.memory_space<hbm>> -> memref<1x80x128xf32, #tpu.memory_space<hbm>>
      %dma_start3A_81 = tpu.memref_squeeze %dma_start3A_80 : memref<1x80x128xf32, #tpu.memory_space<hbm>> -> memref<80x128xf32, #tpu.memory_space<hbm>>
      tpu.enqueue_dma source(%arg7 : memref<80x128xf32, #tpu.memory_space<vmem>>) target(%dma_start3A_81 : memref<80x128xf32, #tpu.memory_space<hbm>>) target_semaphore(%run_scoped3A : memref<!tpu.dma_semaphore, #tpu.memory_space<semaphore_mem>>)
      %dma_wait3A = arith.constant 0 : i32
      %dma_wait3A_82 = tpu.memref_slice %arg3[%arg0, %add3A_64, %dma_wait3A] : memref<2x10240x128xf32, #tpu.memory_space<hbm>> -> memref<1x80x128xf32, #tpu.memory_space<hbm>>
      %dma_wait3A_83 = tpu.memref_squeeze %dma_wait3A_82 : memref<1x80x128xf32, #tpu.memory_space<hbm>> -> memref<80x128xf32, #tpu.memory_space<hbm>>
      %dma_wait3A_84 = arith.constant 0 : i32
      %dma_wait3A_85 = tpu.memref_slice %arg3[%arg0, %add3A_64, %dma_wait3A_84] : memref<2x10240x128xf32, #tpu.memory_space<hbm>> -> memref<1x80x128xf32, #tpu.memory_space<hbm>>
      %dma_wait3A_86 = tpu.memref_squeeze %dma_wait3A_85 : memref<1x80x128xf32, #tpu.memory_space<hbm>> -> memref<80x128xf32, #tpu.memory_space<hbm>>
      tpu.wait_dma2 semaphore(%run_scoped3A : memref<!tpu.dma_semaphore, #tpu.memory_space<semaphore_mem>>) src(%arg7 : memref<80x128xf32, #tpu.memory_space<vmem>>) dst(%dma_wait3A_86 : memref<80x128xf32, #tpu.memory_space<hbm>>)
      tpu.yield
    }) : () -> ()
    %mul3A_65 = arith.constant 640 : i32
    %mul3A_66 = arith.muli %arg1, %mul3A_65 : i32
    %add3A_67 = arith.constant 400 : i32
    %add3A_68 = arith.addi %mul3A_66, %add3A_67 : i32
    "tpu.region"() ({
      %run_scoped3A = tpu.sem_alloc : memref<!tpu.dma_semaphore, #tpu.memory_space<semaphore_mem>>
      %dma_start3A = arith.constant 0 : i32
      %dma_start3A_77 = tpu.memref_slice %arg4[%add3A_68, %dma_start3A] : memref<10240x128xf32, #tpu.memory_space<vmem_shared>> -> memref<80x128xf32, #tpu.memory_space<vmem_shared>>
      %dma_start3A_78 = arith.constant 0 : i32
      %dma_start3A_79 = tpu.memref_slice %arg4[%add3A_68, %dma_start3A_78] : memref<10240x128xf32, #tpu.memory_space<vmem_shared>> -> memref<80x128xf32, #tpu.memory_space<vmem_shared>>
      tpu.enqueue_dma source(%dma_start3A_79 : memref<80x128xf32, #tpu.memory_space<vmem_shared>>) target(%arg7 : memref<80x128xf32, #tpu.memory_space<vmem>>) target_semaphore(%run_scoped3A : memref<!tpu.dma_semaphore, #tpu.memory_space<semaphore_mem>>)
      %dma_wait3A = arith.constant 0 : i32
      %dma_wait3A_80 = tpu.memref_slice %arg4[%add3A_68, %dma_wait3A] : memref<10240x128xf32, #tpu.memory_space<vmem_shared>> -> memref<80x128xf32, #tpu.memory_space<vmem_shared>>
      %dma_wait3A_81 = arith.constant 0 : i32
      %dma_wait3A_82 = tpu.memref_slice %arg4[%add3A_68, %dma_wait3A_81] : memref<10240x128xf32, #tpu.memory_space<vmem_shared>> -> memref<80x128xf32, #tpu.memory_space<vmem_shared>>
      tpu.wait_dma2 semaphore(%run_scoped3A : memref<!tpu.dma_semaphore, #tpu.memory_space<semaphore_mem>>) src(%dma_wait3A_82 : memref<80x128xf32, #tpu.memory_space<vmem_shared>>) dst(%arg7 : memref<80x128xf32, #tpu.memory_space<vmem>>)
      tpu.yield
    }) : () -> ()
    "tpu.region"() ({
      %run_scoped3A = tpu.sem_alloc : memref<!tpu.dma_semaphore, #tpu.memory_space<semaphore_mem>>
      %dma_start3A = arith.constant 0 : i32
      %dma_start3A_77 = tpu.memref_slice %arg3[%arg0, %add3A_68, %dma_start3A] : memref<2x10240x128xf32, #tpu.memory_space<hbm>> -> memref<1x80x128xf32, #tpu.memory_space<hbm>>
      %dma_start3A_78 = tpu.memref_squeeze %dma_start3A_77 : memref<1x80x128xf32, #tpu.memory_space<hbm>> -> memref<80x128xf32, #tpu.memory_space<hbm>>
      %dma_start3A_79 = arith.constant 0 : i32
      %dma_start3A_80 = tpu.memref_slice %arg3[%arg0, %add3A_68, %dma_start3A_79] : memref<2x10240x128xf32, #tpu.memory_space<hbm>> -> memref<1x80x128xf32, #tpu.memory_space<hbm>>
      %dma_start3A_81 = tpu.memref_squeeze %dma_start3A_80 : memref<1x80x128xf32, #tpu.memory_space<hbm>> -> memref<80x128xf32, #tpu.memory_space<hbm>>
      tpu.enqueue_dma source(%arg7 : memref<80x128xf32, #tpu.memory_space<vmem>>) target(%dma_start3A_81 : memref<80x128xf32, #tpu.memory_space<hbm>>) target_semaphore(%run_scoped3A : memref<!tpu.dma_semaphore, #tpu.memory_space<semaphore_mem>>)
      %dma_wait3A = arith.constant 0 : i32
      %dma_wait3A_82 = tpu.memref_slice %arg3[%arg0, %add3A_68, %dma_wait3A] : memref<2x10240x128xf32, #tpu.memory_space<hbm>> -> memref<1x80x128xf32, #tpu.memory_space<hbm>>
      %dma_wait3A_83 = tpu.memref_squeeze %dma_wait3A_82 : memref<1x80x128xf32, #tpu.memory_space<hbm>> -> memref<80x128xf32, #tpu.memory_space<hbm>>
      %dma_wait3A_84 = arith.constant 0 : i32
      %dma_wait3A_85 = tpu.memref_slice %arg3[%arg0, %add3A_68, %dma_wait3A_84] : memref<2x10240x128xf32, #tpu.memory_space<hbm>> -> memref<1x80x128xf32, #tpu.memory_space<hbm>>
      %dma_wait3A_86 = tpu.memref_squeeze %dma_wait3A_85 : memref<1x80x128xf32, #tpu.memory_space<hbm>> -> memref<80x128xf32, #tpu.memory_space<hbm>>
      tpu.wait_dma2 semaphore(%run_scoped3A : memref<!tpu.dma_semaphore, #tpu.memory_space<semaphore_mem>>) src(%arg7 : memref<80x128xf32, #tpu.memory_space<vmem>>) dst(%dma_wait3A_86 : memref<80x128xf32, #tpu.memory_space<hbm>>)
      tpu.yield
    }) : () -> ()
    %mul3A_69 = arith.constant 640 : i32
    %mul3A_70 = arith.muli %arg1, %mul3A_69 : i32
    %add3A_71 = arith.constant 480 : i32
    %add3A_72 = arith.addi %mul3A_70, %add3A_71 : i32
    "tpu.region"() ({
      %run_scoped3A = tpu.sem_alloc : memref<!tpu.dma_semaphore, #tpu.memory_space<semaphore_mem>>
      %dma_start3A = arith.constant 0 : i32
      %dma_start3A_77 = tpu.memref_slice %arg4[%add3A_72, %dma_start3A] : memref<10240x128xf32, #tpu.memory_space<vmem_shared>> -> memref<80x128xf32, #tpu.memory_space<vmem_shared>>
      %dma_start3A_78 = arith.constant 0 : i32
      %dma_start3A_79 = tpu.memref_slice %arg4[%add3A_72, %dma_start3A_78] : memref<10240x128xf32, #tpu.memory_space<vmem_shared>> -> memref<80x128xf32, #tpu.memory_space<vmem_shared>>
      tpu.enqueue_dma source(%dma_start3A_79 : memref<80x128xf32, #tpu.memory_space<vmem_shared>>) target(%arg7 : memref<80x128xf32, #tpu.memory_space<vmem>>) target_semaphore(%run_scoped3A : memref<!tpu.dma_semaphore, #tpu.memory_space<semaphore_mem>>)
      %dma_wait3A = arith.constant 0 : i32
      %dma_wait3A_80 = tpu.memref_slice %arg4[%add3A_72, %dma_wait3A] : memref<10240x128xf32, #tpu.memory_space<vmem_shared>> -> memref<80x128xf32, #tpu.memory_space<vmem_shared>>
      %dma_wait3A_81 = arith.constant 0 : i32
      %dma_wait3A_82 = tpu.memref_slice %arg4[%add3A_72, %dma_wait3A_81] : memref<10240x128xf32, #tpu.memory_space<vmem_shared>> -> memref<80x128xf32, #tpu.memory_space<vmem_shared>>
      tpu.wait_dma2 semaphore(%run_scoped3A : memref<!tpu.dma_semaphore, #tpu.memory_space<semaphore_mem>>) src(%dma_wait3A_82 : memref<80x128xf32, #tpu.memory_space<vmem_shared>>) dst(%arg7 : memref<80x128xf32, #tpu.memory_space<vmem>>)
      tpu.yield
    }) : () -> ()
    "tpu.region"() ({
      %run_scoped3A = tpu.sem_alloc : memref<!tpu.dma_semaphore, #tpu.memory_space<semaphore_mem>>
      %dma_start3A = arith.constant 0 : i32
      %dma_start3A_77 = tpu.memref_slice %arg3[%arg0, %add3A_72, %dma_start3A] : memref<2x10240x128xf32, #tpu.memory_space<hbm>> -> memref<1x80x128xf32, #tpu.memory_space<hbm>>
      %dma_start3A_78 = tpu.memref_squeeze %dma_start3A_77 : memref<1x80x128xf32, #tpu.memory_space<hbm>> -> memref<80x128xf32, #tpu.memory_space<hbm>>
      %dma_start3A_79 = arith.constant 0 : i32
      %dma_start3A_80 = tpu.memref_slice %arg3[%arg0, %add3A_72, %dma_start3A_79] : memref<2x10240x128xf32, #tpu.memory_space<hbm>> -> memref<1x80x128xf32, #tpu.memory_space<hbm>>
      %dma_start3A_81 = tpu.memref_squeeze %dma_start3A_80 : memref<1x80x128xf32, #tpu.memory_space<hbm>> -> memref<80x128xf32, #tpu.memory_space<hbm>>
      tpu.enqueue_dma source(%arg7 : memref<80x128xf32, #tpu.memory_space<vmem>>) target(%dma_start3A_81 : memref<80x128xf32, #tpu.memory_space<hbm>>) target_semaphore(%run_scoped3A : memref<!tpu.dma_semaphore, #tpu.memory_space<semaphore_mem>>)
      %dma_wait3A = arith.constant 0 : i32
      %dma_wait3A_82 = tpu.memref_slice %arg3[%arg0, %add3A_72, %dma_wait3A] : memref<2x10240x128xf32, #tpu.memory_space<hbm>> -> memref<1x80x128xf32, #tpu.memory_space<hbm>>
      %dma_wait3A_83 = tpu.memref_squeeze %dma_wait3A_82 : memref<1x80x128xf32, #tpu.memory_space<hbm>> -> memref<80x128xf32, #tpu.memory_space<hbm>>
      %dma_wait3A_84 = arith.constant 0 : i32
      %dma_wait3A_85 = tpu.memref_slice %arg3[%arg0, %add3A_72, %dma_wait3A_84] : memref<2x10240x128xf32, #tpu.memory_space<hbm>> -> memref<1x80x128xf32, #tpu.memory_space<hbm>>
      %dma_wait3A_86 = tpu.memref_squeeze %dma_wait3A_85 : memref<1x80x128xf32, #tpu.memory_space<hbm>> -> memref<80x128xf32, #tpu.memory_space<hbm>>
      tpu.wait_dma2 semaphore(%run_scoped3A : memref<!tpu.dma_semaphore, #tpu.memory_space<semaphore_mem>>) src(%arg7 : memref<80x128xf32, #tpu.memory_space<vmem>>) dst(%dma_wait3A_86 : memref<80x128xf32, #tpu.memory_space<hbm>>)
      tpu.yield
    }) : () -> ()
    %mul3A_73 = arith.constant 640 : i32
    %mul3A_74 = arith.muli %arg1, %mul3A_73 : i32
    %add3A_75 = arith.constant 560 : i32
    %add3A_76 = arith.addi %mul3A_74, %add3A_75 : i32
    "tpu.region"() ({
      %run_scoped3A = tpu.sem_alloc : memref<!tpu.dma_semaphore, #tpu.memory_space<semaphore_mem>>
      %dma_start3A = arith.constant 0 : i32
      %dma_start3A_77 = tpu.memref_slice %arg4[%add3A_76, %dma_start3A] : memref<10240x128xf32, #tpu.memory_space<vmem_shared>> -> memref<80x128xf32, #tpu.memory_space<vmem_shared>>
      %dma_start3A_78 = arith.constant 0 : i32
      %dma_start3A_79 = tpu.memref_slice %arg4[%add3A_76, %dma_start3A_78] : memref<10240x128xf32, #tpu.memory_space<vmem_shared>> -> memref<80x128xf32, #tpu.memory_space<vmem_shared>>
      tpu.enqueue_dma source(%dma_start3A_79 : memref<80x128xf32, #tpu.memory_space<vmem_shared>>) target(%arg7 : memref<80x128xf32, #tpu.memory_space<vmem>>) target_semaphore(%run_scoped3A : memref<!tpu.dma_semaphore, #tpu.memory_space<semaphore_mem>>)
      %dma_wait3A = arith.constant 0 : i32
      %dma_wait3A_80 = tpu.memref_slice %arg4[%add3A_76, %dma_wait3A] : memref<10240x128xf32, #tpu.memory_space<vmem_shared>> -> memref<80x128xf32, #tpu.memory_space<vmem_shared>>
      %dma_wait3A_81 = arith.constant 0 : i32
      %dma_wait3A_82 = tpu.memref_slice %arg4[%add3A_76, %dma_wait3A_81] : memref<10240x128xf32, #tpu.memory_space<vmem_shared>> -> memref<80x128xf32, #tpu.memory_space<vmem_shared>>
      tpu.wait_dma2 semaphore(%run_scoped3A : memref<!tpu.dma_semaphore, #tpu.memory_space<semaphore_mem>>) src(%dma_wait3A_82 : memref<80x128xf32, #tpu.memory_space<vmem_shared>>) dst(%arg7 : memref<80x128xf32, #tpu.memory_space<vmem>>)
      tpu.yield
    }) : () -> ()
    "tpu.region"() ({
      %run_scoped3A = tpu.sem_alloc : memref<!tpu.dma_semaphore, #tpu.memory_space<semaphore_mem>>
      %dma_start3A = arith.constant 0 : i32
      %dma_start3A_77 = tpu.memref_slice %arg3[%arg0, %add3A_76, %dma_start3A] : memref<2x10240x128xf32, #tpu.memory_space<hbm>> -> memref<1x80x128xf32, #tpu.memory_space<hbm>>
      %dma_start3A_78 = tpu.memref_squeeze %dma_start3A_77 : memref<1x80x128xf32, #tpu.memory_space<hbm>> -> memref<80x128xf32, #tpu.memory_space<hbm>>
      %dma_start3A_79 = arith.constant 0 : i32
      %dma_start3A_80 = tpu.memref_slice %arg3[%arg0, %add3A_76, %dma_start3A_79] : memref<2x10240x128xf32, #tpu.memory_space<hbm>> -> memref<1x80x128xf32, #tpu.memory_space<hbm>>
      %dma_start3A_81 = tpu.memref_squeeze %dma_start3A_80 : memref<1x80x128xf32, #tpu.memory_space<hbm>> -> memref<80x128xf32, #tpu.memory_space<hbm>>
      tpu.enqueue_dma source(%arg7 : memref<80x128xf32, #tpu.memory_space<vmem>>) target(%dma_start3A_81 : memref<80x128xf32, #tpu.memory_space<hbm>>) target_semaphore(%run_scoped3A : memref<!tpu.dma_semaphore, #tpu.memory_space<semaphore_mem>>)
      %dma_wait3A = arith.constant 0 : i32
      %dma_wait3A_82 = tpu.memref_slice %arg3[%arg0, %add3A_76, %dma_wait3A] : memref<2x10240x128xf32, #tpu.memory_space<hbm>> -> memref<1x80x128xf32, #tpu.memory_space<hbm>>
      %dma_wait3A_83 = tpu.memref_squeeze %dma_wait3A_82 : memref<1x80x128xf32, #tpu.memory_space<hbm>> -> memref<80x128xf32, #tpu.memory_space<hbm>>
      %dma_wait3A_84 = arith.constant 0 : i32
      %dma_wait3A_85 = tpu.memref_slice %arg3[%arg0, %add3A_76, %dma_wait3A_84] : memref<2x10240x128xf32, #tpu.memory_space<hbm>> -> memref<1x80x128xf32, #tpu.memory_space<hbm>>
      %dma_wait3A_86 = tpu.memref_squeeze %dma_wait3A_85 : memref<1x80x128xf32, #tpu.memory_space<hbm>> -> memref<80x128xf32, #tpu.memory_space<hbm>>
      tpu.wait_dma2 semaphore(%run_scoped3A : memref<!tpu.dma_semaphore, #tpu.memory_space<semaphore_mem>>) src(%arg7 : memref<80x128xf32, #tpu.memory_space<vmem>>) dst(%dma_wait3A_86 : memref<80x128xf32, #tpu.memory_space<hbm>>)
      tpu.yield
    }) : () -> ()
    return
  }
}

module attributes {stable_mosaic.version = 14 : i64} {
  func.func @body(%arg0: i32, %arg1: memref<1000x128xf32, #tpu.memory_space<vmem>>, %arg2: memref<1000x128xf32, #tpu.memory_space<vmem>>, %arg3: memref<1000x128xf32, #tpu.memory_space<vmem>>, %arg4: memref<1000x128xf32, #tpu.memory_space<vmem>>, %arg5: memref<1000x128xf32, #tpu.memory_space<vmem>>, %arg6: memref<1x128xf32, #tpu.memory_space<vmem>>, %arg7: memref<128x128xf32, #tpu.memory_space<vmem>>, %arg8: memref<128x128xf32, #tpu.memory_space<vmem>>, %arg9: memref<128x128xf32, #tpu.memory_space<vmem>>, %arg10: memref<1x128xf32, #tpu.memory_space<vmem>>, %arg11: memref<1000x128xf32, #tpu.memory_space<vmem>>) attributes {dimension_semantics = [#tpu.dimension_semantics<arbitrary>], iteration_bounds = array<i64: 10>, scalar_prefetch = 0 : i64, scratch_operands = 0 : i64, tpu.core_type = #tpu.core_type<tc>, window_params = [{transform_indices = @transform_0, window_bounds = array<i64: 1000, 128>}, {transform_indices = @transform_1, window_bounds = array<i64: 1000, 128>}, {transform_indices = @transform_2, window_bounds = array<i64: 1000, 128>}, {transform_indices = @transform_3, window_bounds = array<i64: 1000, 128>}, {transform_indices = @transform_4, window_bounds = array<i64: 1000, 128>}, {pipeline_mode = #tpu.pipeline_mode<synchronous>, transform_indices = @transform_5, window_bounds = array<i64: 1, 128>}, {pipeline_mode = #tpu.pipeline_mode<synchronous>, transform_indices = @transform_6, window_bounds = array<i64: 128, 128>}, {pipeline_mode = #tpu.pipeline_mode<synchronous>, transform_indices = @transform_7, window_bounds = array<i64: 128, 128>}, {pipeline_mode = #tpu.pipeline_mode<synchronous>, transform_indices = @transform_8, window_bounds = array<i64: 128, 128>}, {pipeline_mode = #tpu.pipeline_mode<synchronous>, transform_indices = @transform_9, window_bounds = array<i64: 1, 128>}, {transform_indices = @transform_10, window_bounds = array<i64: 1000, 128>}]} {
    %get3A = arith.constant 0 : index
    %get3A_0 = arith.constant 0 : index
    %get3A_1 = vector.load %arg3[%get3A, %get3A_0] : memref<1000x128xf32, #tpu.memory_space<vmem>>, vector<1000x1xf32>
    %max3A = arith.constant 1.000000e+00 : f32
    %max3A_2 = vector.broadcast %max3A : f32 to vector<1000x1xf32>
    %max3A_3 = arith.maximumf %get3A_1, %max3A_2 : vector<1000x1xf32>
    %div3A = arith.constant 1.000000e+00 : f32
    %div3A_4 = vector.broadcast %div3A : f32 to vector<1000x1xf32>
    %div3A_5 = arith.divf %div3A_4, %max3A_3 : vector<1000x1xf32>
    %get3A_6 = arith.constant 0 : index
    %get3A_7 = arith.constant 0 : index
    %get3A_8 = vector.load %arg4[%get3A_6, %get3A_7] : memref<1000x128xf32, #tpu.memory_space<vmem>>, vector<1000x1xf32>
    %max3A_9 = arith.constant 1.000000e+00 : f32
    %max3A_10 = vector.broadcast %max3A_9 : f32 to vector<1000x1xf32>
    %max3A_11 = arith.maximumf %get3A_8, %max3A_10 : vector<1000x1xf32>
    %div3A_12 = arith.constant 1.000000e+00 : f32
    %div3A_13 = vector.broadcast %div3A_12 : f32 to vector<1000x1xf32>
    %div3A_14 = arith.divf %div3A_13, %max3A_11 : vector<1000x1xf32>
    %get3A_15 = arith.constant 0 : index
    %get3A_16 = arith.constant 0 : index
    %get3A_17 = vector.load %arg1[%get3A_15, %get3A_16] : memref<1000x128xf32, #tpu.memory_space<vmem>>, vector<1000x128xf32>
    %mul3A = vector.broadcast %div3A_5 : vector<1000x1xf32> to vector<1000x128xf32>
    %mul3A_18 = arith.mulf %get3A_17, %mul3A : vector<1000x128xf32>
    %get3A_19 = arith.constant 0 : index
    %get3A_20 = arith.constant 0 : index
    %get3A_21 = vector.load %arg2[%get3A_19, %get3A_20] : memref<1000x128xf32, #tpu.memory_space<vmem>>, vector<1000x128xf32>
    %mul3A_22 = vector.broadcast %div3A_14 : vector<1000x1xf32> to vector<1000x128xf32>
    %mul3A_23 = arith.mulf %get3A_21, %mul3A_22 : vector<1000x128xf32>
    %get3A_24 = arith.constant 0 : index
    %get3A_25 = arith.constant 0 : index
    %get3A_26 = vector.load %arg5[%get3A_24, %get3A_25] : memref<1000x128xf32, #tpu.memory_space<vmem>>, vector<1000x128xf32>
    %get3A_27 = arith.constant 0 : index
    %get3A_28 = arith.constant 0 : index
    %get3A_29 = vector.load %arg6[%get3A_27, %get3A_28] : memref<1x128xf32, #tpu.memory_space<vmem>>, vector<1x128xf32>
    %slice3A = vector.extract_strided_slice %get3A_26 {offsets = [0, 0], sizes = [1000, 64], strides = [1, 1]} : vector<1000x128xf32> to vector<1000x64xf32>
    %slice3A_30 = vector.extract_strided_slice %get3A_26 {offsets = [0, 64], sizes = [1000, 64], strides = [1, 1]} : vector<1000x128xf32> to vector<1000x64xf32>
    %slice3A_31 = vector.extract_strided_slice %get3A_29 {offsets = [0, 0], sizes = [1, 64], strides = [1, 1]} : vector<1x128xf32> to vector<1x64xf32>
    %slice3A_32 = vector.extract_strided_slice %get3A_29 {offsets = [0, 64], sizes = [1, 64], strides = [1, 1]} : vector<1x128xf32> to vector<1x64xf32>
    %mul3A_33 = vector.broadcast %slice3A_31 : vector<1x64xf32> to vector<1000x64xf32>
    %mul3A_34 = arith.mulf %slice3A, %mul3A_33 : vector<1000x64xf32>
    %mul3A_35 = vector.broadcast %slice3A_32 : vector<1x64xf32> to vector<1000x64xf32>
    %mul3A_36 = arith.mulf %slice3A_30, %mul3A_35 : vector<1000x64xf32>
    %sub3A = arith.subf %mul3A_34, %mul3A_36 : vector<1000x64xf32>
    %mul3A_37 = vector.broadcast %slice3A_32 : vector<1x64xf32> to vector<1000x64xf32>
    %mul3A_38 = arith.mulf %slice3A, %mul3A_37 : vector<1000x64xf32>
    %mul3A_39 = vector.broadcast %slice3A_31 : vector<1x64xf32> to vector<1000x64xf32>
    %mul3A_40 = arith.mulf %slice3A_30, %mul3A_39 : vector<1000x64xf32>
    %add3A = arith.addf %mul3A_38, %mul3A_40 : vector<1000x64xf32>
    %concatenate3A = tpu.concatenate %sub3A, %add3A in 1 : vector<1000x64xf32>, vector<1000x64xf32> -> vector<1000x128xf32>
    %get3A_41 = arith.constant 0 : index
    %get3A_42 = arith.constant 0 : index
    %get3A_43 = vector.load %arg7[%get3A_41, %get3A_42] : memref<128x128xf32, #tpu.memory_space<vmem>>, vector<128x128xf32>
    %dot_general3A = arith.constant dense<0.000000e+00> : vector<1000x128xf32>
    %dot_general3A_44 = tpu.matmul %mul3A_18, %get3A_43, %dot_general3A {dimension_numbers = #tpu.dot_dimension_numbers<[1], [0], [0], [1], [0, 0, 1, 1], [], []>, transpose_lhs_hint = false} : vector<1000x128xf32>, vector<128x128xf32>, vector<1000x128xf32> -> vector<1000x128xf32>
    %get3A_45 = arith.constant 0 : index
    %get3A_46 = arith.constant 0 : index
    %get3A_47 = vector.load %arg8[%get3A_45, %get3A_46] : memref<128x128xf32, #tpu.memory_space<vmem>>, vector<128x128xf32>
    %dot_general3A_48 = arith.constant dense<0.000000e+00> : vector<1000x128xf32>
    %dot_general3A_49 = tpu.matmul %mul3A_23, %get3A_47, %dot_general3A_48 {dimension_numbers = #tpu.dot_dimension_numbers<[1], [0], [0], [1], [0, 0, 1, 1], [], []>, transpose_lhs_hint = false} : vector<1000x128xf32>, vector<128x128xf32>, vector<1000x128xf32> -> vector<1000x128xf32>
    %add3A_50 = arith.addf %dot_general3A_44, %dot_general3A_49 : vector<1000x128xf32>
    %get3A_51 = arith.constant 0 : index
    %get3A_52 = arith.constant 0 : index
    %get3A_53 = vector.load %arg9[%get3A_51, %get3A_52] : memref<128x128xf32, #tpu.memory_space<vmem>>, vector<128x128xf32>
    %dot_general3A_54 = arith.constant dense<0.000000e+00> : vector<1000x128xf32>
    %dot_general3A_55 = tpu.matmul %concatenate3A, %get3A_53, %dot_general3A_54 {dimension_numbers = #tpu.dot_dimension_numbers<[1], [0], [0], [1], [0, 0, 1, 1], [], []>, transpose_lhs_hint = false} : vector<1000x128xf32>, vector<128x128xf32>, vector<1000x128xf32> -> vector<1000x128xf32>
    %add3A_56 = arith.addf %add3A_50, %dot_general3A_55 : vector<1000x128xf32>
    %mul3A_57 = arith.constant 0.333333343 : f32
    %mul3A_58 = vector.broadcast %mul3A_57 : f32 to vector<1000x128xf32>
    %mul3A_59 = arith.mulf %add3A_56, %mul3A_58 : vector<1000x128xf32>
    %get3A_60 = arith.constant 0 : index
    %get3A_61 = arith.constant 0 : index
    %get3A_62 = vector.load %arg10[%get3A_60, %get3A_61] : memref<1x128xf32, #tpu.memory_space<vmem>>, vector<1x128xf32>
    %add3A_63 = vector.broadcast %get3A_62 : vector<1x128xf32> to vector<1000x128xf32>
    %add3A_64 = arith.addf %mul3A_59, %add3A_63 : vector<1000x128xf32>
    %tanh3A = math.tanh %add3A_64 : vector<1000x128xf32>
    %swap3A = arith.constant 0 : index
    %swap3A_65 = arith.constant 0 : index
    %swap3A_66 = vector.load %arg11[%swap3A, %swap3A_65] : memref<1000x128xf32, #tpu.memory_space<vmem>>, vector<1000x128xf32>
    tpu.vector_store %arg11[%swap3A, %swap3A_65], %tanh3A {strides = array<i32>} : memref<1000x128xf32, #tpu.memory_space<vmem>>, vector<1000x128xf32>,
    return
  }
  func.func @transform_0(%arg0: i32) -> (i32, i32) {
    %c0_i32 = arith.constant 0 : i32
    %c0_i32_0 = arith.constant 0 : i32
    return %arg0, %c0_i32 : i32, i32
  }
  func.func @transform_1(%arg0: i32) -> (i32, i32) {
    %c0_i32 = arith.constant 0 : i32
    %c0_i32_0 = arith.constant 0 : i32
    return %arg0, %c0_i32 : i32, i32
  }
  func.func @transform_2(%arg0: i32) -> (i32, i32) {
    %c0_i32 = arith.constant 0 : i32
    %c0_i32_0 = arith.constant 0 : i32
    return %arg0, %c0_i32 : i32, i32
  }
  func.func @transform_3(%arg0: i32) -> (i32, i32) {
    %c0_i32 = arith.constant 0 : i32
    %c0_i32_0 = arith.constant 0 : i32
    return %arg0, %c0_i32 : i32, i32
  }
  func.func @transform_4(%arg0: i32) -> (i32, i32) {
    %c0_i32 = arith.constant 0 : i32
    %c0_i32_0 = arith.constant 0 : i32
    return %arg0, %c0_i32 : i32, i32
  }
  func.func @transform_5(%arg0: i32) -> (i32, i32) {
    %c0_i32 = arith.constant 0 : i32
    %c0_i32_0 = arith.constant 0 : i32
    %c0_i32_1 = arith.constant 0 : i32
    return %c0_i32, %c0_i32_0 : i32, i32
  }
  func.func @transform_6(%arg0: i32) -> (i32, i32) {
    %c0_i32 = arith.constant 0 : i32
    %c0_i32_0 = arith.constant 0 : i32
    %c0_i32_1 = arith.constant 0 : i32
    return %c0_i32, %c0_i32_0 : i32, i32
  }
  func.func @transform_7(%arg0: i32) -> (i32, i32) {
    %c0_i32 = arith.constant 0 : i32
    %c0_i32_0 = arith.constant 0 : i32
    %c0_i32_1 = arith.constant 0 : i32
    return %c0_i32, %c0_i32_0 : i32, i32
  }
  func.func @transform_8(%arg0: i32) -> (i32, i32) {
    %c0_i32 = arith.constant 0 : i32
    %c0_i32_0 = arith.constant 0 : i32
    %c0_i32_1 = arith.constant 0 : i32
    return %c0_i32, %c0_i32_0 : i32, i32
  }
  func.func @transform_9(%arg0: i32) -> (i32, i32) {
    %c0_i32 = arith.constant 0 : i32
    %c0_i32_0 = arith.constant 0 : i32
    %c0_i32_1 = arith.constant 0 : i32
    return %c0_i32, %c0_i32_0 : i32, i32
  }
  func.func @transform_10(%arg0: i32) -> (i32, i32) {
    %c0_i32 = arith.constant 0 : i32
    %c0_i32_0 = arith.constant 0 : i32
    return %arg0, %c0_i32 : i32, i32
  }
}

</mosaic_0001>

<sc_bundles>
// kernel: kernel.5.cloned.1.call-start
scs
__scs_entry_jumppad:
0x0: {  	(pc) =	sbr.rel $0x88, $3  }
0x1: {  	(tag) =	ssettag $0x0;
	lr =	simm.s32 $0x1  }
0x2: {  	[smem:$0x3F98] =	sst lr;
	_ =	strace $0xD0000000  }
0x3: {  	_ = 	snop  }
0x4: {  	_ = 	snop  }
0x5: {  	_ = 	snop  }
0x6: {  	_ = 	snop  }
0x7: {  	_ = 	snop  }
__scs_overlays_trampoline_lowered:
0x8: {  	[smem:$0x3FA7] =	sst s0  }
0x9: {  	[smem:$0x3FA8] =	sst s1  }
0xa: {  	[smem:$0x3FA9] =	sst s2  }
0xb: {  	[smem:$0x3FAA] =	sst s3  }
0xc: {  	[smem:$0x3FAB] =	sst s4  }
0xd: {  	[smem:$0x3FAC] =	sst s5  }
0xe: {  	[smem:$0x3FAD] =	sst s6  }
0xf: {  	[smem:$0x3FAE] =	sst s7  }
0x10: {  	[smem:$0x3FAF] =	sst s8  }
0x11: {  	[smem:$0x3FB0] =	sst s9;
	s0 =	simm.s32 @!p0 $0x0  }
0x12: {  	s1 =	sld [smem:$0x3F96];
	s0 =	simm.s32 @p0 $0x1  }
0x13: {  	[smem:$0x3FB1] =	sst s0;
	s0 =	simm.s32 @!p1 $0x0  }
0x14: {  	s2 =	sld [smem:$0x3F95];
	s0 =	simm.s32 @p1 $0x1  }
0x15: {  	[smem:$0x3FB2] =	sst s0;
	s0 =	simm.s32 @!p2 $0x0  }
0x16: {  	s3 =	sld [smem:$0x3FDB];
	s0 =	simm.s32 @p2 $0x1  }
0x17: {  	s4 =	simm.s32 $0x1BF5;
	[smem:$0x3FB4] =	sst s0  }
0x18: {  	s0 =	sld [smem:$0x3F97];
	_ =	swait.ge [sflag:s4], $0x0  }
0x19: {  	s7 =	sld [smem:$0x3F98]  }
0x1a: {  	s8 =	sadd.s32 $0xFFFFE003, lr  }
0x1b: {  	s9 =	sadd.s32 $0xFFFFFEF7, lr;
	s5 =	simm.s32 $0xFFFFFFFF;
	p2 =	slt.u32 s8, $0xFFFFF086  }
0x1c: {  	p1 =	slt.u32 s9, $0xF7A;
	s5 =	simm.s32 @!p2 $0x0  }
0x1d: {  	s5 =	simm.s32 @p1 $0x1;
	p0 =	seq.s32 s7, s2  }
0x1e: {  	s7 =	smul.u32 @!p0 $0xF7A, s2;
	p2 =	seq.s32 @!p0 s5, $0x0  }
0x1f: {  	s9 =	smul.u32 $0xF7A, s1;
	s8 =	simm.s32 @!p0 $0x1BF5;
	p2 =	por !p2, p0  }
0x20: {  	[sflag:s8] =	ssyncset.s32 @!p0 $0xFFFFF086;
	s6 =	sadd.s32 @!p0 s3, s7;
	s7 =	simm.s32 @!p0 $0x108  }
0x21: {  	s3 =	sadd.s32 s3, s9;
	s6 =	sadd.s32 @!p0 $0x88, s6;
	s7 =	simm.s32 @p2 $0x1082  }
0x22: {  	[simem:s7], [sflag:s8] =	dma.local @!p0 [hbm:s6], $0xF7A  }
0x23: {  	s9 =	sor.u32 $0xD0000000, s2;
	s6 =	simm.s32 $0x108;
	_ =	swait.ge @!p0 [sflag:s8], $0x0  }
0x24: {  	s3 =	sadd.s32 $0x88, s3;
	s6 =	simm.s32 @!p1 $0x1082;
	[sflag:s4] =	ssyncset.s32 $0xFFFFF086  }
0x25: {  	[simem:s6], [sflag:s4] =	dma.local [hbm:s3], $0xF7A  }
0x26: {  	[smem:$0x3F98] =	sst s1;
	(tag) =	ssettag s2;
	_ =	strace s9  }
0x27: {  	s1 =	sld [smem:$0x3FA8]  }
0x28: {  	s2 =	sld [smem:$0x3FA9]  }
0x29: {  	s4 =	sld [smem:$0x3FAB]  }
0x2a: {  	p0 =	seq.s32 s5, $0x0;
	s5 =	sld [smem:$0x3FAC]  }
0x2b: {  	s6 =	sld [smem:$0x3FAD]  }
0x2c: {  	s7 =	sld [smem:$0x3FAE]  }
0x2d: {  	s3 =	simm.s32 $0x108;
	s8 =	sld [smem:$0x3FAF]  }
0x2e: {  	s3 =	simm.s32 @!p0 $0x1082;
	s9 =	sld [smem:$0x3FB0]  }
0x2f: {  	lr =	sadd.s32 s0, s3;
	s0 =	sld [smem:$0x3FA7]  }
0x30: {  	s3 =	sld [smem:$0x3FAA]  }
0x31: {  	[smem:$0x3FB3] =	sst s10  }
0x32: {  	s10 =	sld [smem:$0x3FB1];
	_ =	sdelay $0x3  }
0x33: {  	p0 =	seq.s32 s10, $0x1;
	s10 =	sld [smem:$0x3FB3];
	_ =	sdelay $0x3  }
0x34: {  	[smem:$0x3FB3] =	sst s10  }
0x35: {  	s10 =	sld [smem:$0x3FB2];
	_ =	sdelay $0x3  }
0x36: {  	p1 =	seq.s32 s10, $0x1;
	s10 =	sld [smem:$0x3FB3];
	_ =	sdelay $0x3  }
0x37: {  	[smem:$0x3FB3] =	sst s10  }
0x38: {  	s10 =	sld [smem:$0x3FB4]  }
0x39: {  	_ = 	snop;
	(pc) =	sbr.ind lr, $3  }
0x3a: {  	_ = 	snop  }
0x3b: {  	_ = 	snop  }
0x3c: {  	p2 =	seq.s32 s10, $0x1;
	s10 =	sld [smem:$0x3FB3]  }
0x3d: {  	_ =	shalt  }
0x3e: {  	_ =	shalt  }
0x3f: {  	_ =	shalt  }
0x40: {  	_ =	shalt  }
0x41: {  	_ =	shalt  }
0x42: {  	_ =	shalt  }
0x43: {  	_ =	shalt  }
0x44: {  	_ =	shalt  }
0x45: {  	_ =	shalt  }
0x46: {  	_ =	shalt  }
0x47: {  	_ =	shalt  }
0x48: {  	_ =	shalt  }
0x49: {  	_ =	shalt  }
0x4a: {  	_ =	shalt  }
0x4b: {  	_ =	shalt  }
0x4c: {  	_ =	shalt  }
0x4d: {  	_ =	shalt  }
0x4e: {  	_ =	shalt  }
0x4f: {  	_ =	shalt  }
0x50: {  	_ =	shalt  }
0x51: {  	_ =	shalt  }
0x52: {  	_ =	shalt  }
0x53: {  	_ =	shalt  }
0x54: {  	_ =	shalt  }
0x55: {  	_ =	shalt  }
0x56: {  	_ =	shalt  }
0x57: {  	_ =	shalt  }
0x58: {  	_ =	shalt  }
0x59: {  	_ =	shalt  }
0x5a: {  	_ =	shalt  }
0x5b: {  	_ =	shalt  }
0x5c: {  	_ =	shalt  }
0x5d: {  	_ =	shalt  }
0x5e: {  	_ =	shalt  }
0x5f: {  	_ =	shalt  }
0x60: {  	_ =	shalt  }
0x61: {  	_ =	shalt  }
0x62: {  	_ =	shalt  }
0x63: {  	_ =	shalt  }
0x64: {  	_ =	shalt  }
0x65: {  	_ =	shalt  }
0x66: {  	_ =	shalt  }
0x67: {  	_ =	shalt  }
0x68: {  	_ =	shalt  }
0x69: {  	_ =	shalt  }
0x6a: {  	_ =	shalt  }
0x6b: {  	_ =	shalt  }
0x6c: {  	_ =	shalt  }
0x6d: {  	_ =	shalt  }
0x6e: {  	_ =	shalt  }
0x6f: {  	_ =	shalt  }
0x70: {  	_ =	shalt  }
0x71: {  	_ =	shalt  }
0x72: {  	_ =	shalt  }
0x73: {  	_ =	shalt  }
0x74: {  	_ =	shalt  }
0x75: {  	_ =	shalt  }
0x76: {  	_ =	shalt  }
0x77: {  	_ =	shalt  }
0x78: {  	_ =	shalt  }
0x79: {  	_ =	shalt  }
0x7a: {  	_ =	shalt  }
0x7b: {  	_ =	shalt  }
0x7c: {  	_ =	shalt  }
0x7d: {  	_ =	shalt  }
0x7e: {  	_ =	shalt  }
0x7f: {  	_ =	shalt  }
0x80: {  	_ =	shalt  }
0x81: {  	_ =	shalt  }
0x82: {  	_ =	shalt  }
0x83: {  	_ =	shalt  }
0x84: {  	_ =	shalt  }
0x85: {  	_ =	shalt  }
0x86: {  	_ =	shalt  }
0x87: {  	_ =	shalt  }
.Lfunc_end0:
.L_simem_size_0:
called_computation_lowered:
.L_overlay_start_0:
0x88: {  	s2 =	sld [smem:$0x3FD9]  }
0x89: {  	s3 =	sld [smem:$0x3FFE];
	_ =	sdelay $0x1  }
0x8a: {  	s1 =	srdreg.scid  }
0x8b: {  	s0 =	sand.u32 $0x1, s1  }
0x8c: {  	s17 =	sshll.u32 s0, $0xA;
	s2 =	sadd.s32 s3, s2  }
0x8d: {  	s2 =	sadd.s32 s2, s17  }
0x8e: {  	[smem:$0x3FBF] =	sst s2  }
0x8f: {  	_ = 	snop  }
0x90: {  	s18 =	sld [smem:$0x3FD0];
	(tm) =	ssettm $0x1  }
0x91: {  	s19 =	sld [smem:$0x3FFB];
	_ =	sdelay $0x3  }
0x92: {  	_ =	strace s19  }
0x93: {  	s2 =	sld [smem:$0x3FFC];
	_ =	sdelay $0x3  }
0x94: {  	_ =	strace s2  }
0x95: {  	s2 =	sld [smem:$0x3FFD];
	_ =	sdelay $0x3  }
0x96: {  	_ =	strace s2  }
0x97: {  	_ =	strace $0x8FFFFFFF  }
0x98: {  	s20 =	sld [smem:$0x3FDB];
	_ =	sdelay $0x1  }
0x99: {  	s4 =	simm.s32 $_scs_section_size  }
0x9a: {  	s5 =	simm.s32 $_size__tile_overlayer_lowered;
	s6 =	simm.s32 $_tile_overlayer_lowered  }
0x9b: {  	s7 =	simm.s32 $0x1BFF;
	s21 =	sshll.u32 s6, $0x1;
	s4 =	sadd.s32 s4, s20  }
0x9c: {  	s22 =	simm.s32 $0x0;
	s5 =	sshll.u32 s5, $0x1;
	s6 =	sadd.s32 s21, s4  }
0x9d: {  	[timem:s22], [sflag:s7] =	dma.local [hbm:s6], s5  }
0x9e: {  	_ =	swait.ge [sflag:s7], s5  }
0x9f: {  	s5 =	ssub.s32 $0x0, s5;
	[sflag:s7] =	ssyncset.done $0x0  }
0xa0: {  	[sflag:s7] =	ssyncadd.s32 s5;
	_ =	sdelay $0x1  }
0xa1: {  	s23 =	simm.s32 $0x1B8B  }
0xa2: {  	_ =	swait.ge [sflag:s23], $0x1  }
0xa3: {  	[sflag:s23] =	ssyncset.done $0x0  }
0xa4: {  	[sflag:s23] =	ssyncadd.s32 $0xFFFFFFFF  }
0xa5: {  	s5 =	sld [smem:$0x0]  }
0xa6: {  	s6 =	sand.u32 $0xFFFFFFFE, s1  }
0xa7: {  	p0 =	sne.s32 s1, s6  }
0xa8: {  	s6 =	sshll.u32 @p0 s6, $0xE  }
0xa9: {  	s6 =	sadd.s32 @p0 $0x11B8D, s6;
	s7 =	sshll.u32 @p0 s5, $0x11  }
0xaa: {  	s6 =	sor.u32 @p0 s7, s6  }
0xab: {  	[sflag:s6] =	ssyncadd.remote.s32 @p0 $0x1;
	_ =	sdelay $0x1  }
0xac: {  	s6 =	simm.s32 @p0 $0x1B8D  }
0xad: {  	_ =	swait.eq @p0 [sflag:s6], $0x1  }
0xae: {  	[sflag:s6] =	ssyncadd.s32 @p0 $0xFFFFFFFF  }
0xaf: {  	s7 =	sshll.u32 @!p0 s1, $0xE  }
0xb0: {  	s7 =	sor.u32 @!p0 $0x4000, s7;
	s6 =	simm.s32 @!p0 $0x1B8D  }
0xb1: {  	s5 =	sshll.u32 @!p0 s5, $0x11;
	s7 =	sadd.s32 @!p0 $0x11B8D, s7;
	_ =	swait.eq @!p0 [sflag:s6], $0x1  }
0xb2: {  	s5 =	sor.u32 @!p0 s5, s7;
	[sflag:s6] =	ssyncadd.s32 @!p0 $0xFFFFFFFF  }
0xb3: {  	s25 =	simm.s32 $0x1B8E;
	s24 =	sld [smem:$0x3FFE];
	[sflag:s5] =	ssyncadd.remote.s32 @!p0 $0x1  }
0xb4: {  	s26 =	simm.s32 $execute0_lowered;
	[smem:$0x3FD2] =	sst s25  }
0xb5: {  	s6 =	sshll.u32 s26, $0x1;
	_ =	strace $0x80000049;
	[dreg:$0x1] =	wrdreg $0xFFFFFFFF  }
0xb6: {  	s28 =	simm.s32 $_size_execute0_lowered;
	s4 =	sadd.s32 s4, s6;
	[dreg:$0x0] =	wrdreg $0x0  }
0xb7: {  	s6 =	sshll.u32 s28, $0x1;
	[dreg:$0x2] =	wrdreg s4  }
0xb8: {  	[dreg:$0x3] =	wrdreg s6  }
0xb9: {  	[dreg:$0x4] =	wrdreg $0xC0  }
0xba: {  	_ =	task [dreg:s22], $0x5FFFF  }
0xbb: {  	[dreg:$0x1] =	wrdreg $0xFFFFFFFF  }
0xbc: {  	[dreg:$0x0] =	wrdreg $0x60  }
0xbd: {  	[dreg:$0x2] =	wrdreg s18  }
0xbe: {  	[dreg:$0x3] =	wrdreg s24  }
0xbf: {  	[dreg:$0x4] =	wrdreg $0x0  }
0xc0: {  	[dreg:$0x5] =	wrdreg $0x9  }
0xc1: {  	_ =	task.clear_ibuf [dreg:s22], $0x6FFFF;
	_ =	strace $0x90000049  }
0xc2: {  	s29 =	simm.s32 $0x9;
	_ =	strace $0x8000004B  }
0xc3: {  	_ =	swait.ge [sflag:s29], $0x1  }
0xc4: {  	[sflag:s29] =	ssyncadd.s32 $0xFFFFFFFF  }
0xc5: {  	_ =	strace $0x9000004B  }
0xc6: {  	_ =	sfence  }
0xc7: {  	s30 =	sld [smem:$0x0];
	_ =	sdelay $0x2  }
0xc8: {  	s31 =	sshll.u32 s1, $0xD;
	s1 =	sshrl.u32 s1, $0x2  }
0xc9: {  	s4 =	sand.u32 $0x4000, s31;
	s1 =	sadd.s32 s1, s30  }
0xca: {  	s0 =	sor.u32 s4, s0;
	s1 =	sshll.u32 s1, $0x11  }
0xcb: {  	s0 =	sor.u32 s1, s0  }
0xcc: {  	s0 =	sadd.s32 $0x8F2B, s0  }
0xcd: {  	[sflag:s0] =	ssyncadd.remote.s32 $0x1  }
0xce: {  	_ =	sfence.sel $0xFFFF  }
0xcf: {  	[dreg:$0x0] =	wrdreg $0xFFFFFFFF;
	(pc) =	sbr.abs _section_cstart, $3  }
0xd0: {  	[dreg:$0x1] =	wrdreg $0xFFFFFFFF  }
0xd1: {  	_ =	task.clear_ibuf [dreg:s22], $0x2FFFF;
	_ =	strace $0x9FFFFFFF  }
0xd2: {  	(tm) =	ssettm $0x7FFFFFFF  }
0xd3: {  	_ =	shalt  }
tec
execute0_lowered:
.L_overlay_start_1:
0x0: {  	(tag) =	ssettag $0x1  }
0x1: {  	s21 =	rddreg [dreg:$0x0]  }
0x2: {  	s4 =	rddreg [dreg:$0x1];
	s1 =	stileid.u32  }
0x3: {  	s2 =	rddreg [dreg:$0x2];
	s26 =	smul.u32 $0x50000, s1  }
0x4: {  	s5 =	srdreg.scid;
	s3 =	simm.s32 $0x0;
	s12 =	smul.u32 $0x14000, s1  }
0x5: {  	s28 =	simm.s32 $0x0;
	s11 =	sand.u32 $0x1, s5;
	s25 =	smul.u32 $0x2710, s1  }
0x6: {  	[smem:$0x7FF] =	sst s3;
	s19 =	sadd.s32 $0x5AA00, s4;
	s22 =	smul.u32 $0x140000, s11  }
0x7: {  	s6 =	ssub.s32 $0x2, s11;
	_ =	strace $0x8000004A;
	s24 =	smul.u32 $0x27100, s11  }
0x8: {  	s29 =	sshrl.u32 s6, $0x1;
	s30 =	sshrl.u32 s26, $0x2;
	s13 =	sor.u32 $0x2800, s12  }
0x9: {  	s14 =	sadd.s32 $0x5000, s12;
	s15 =	sadd.s32 $0x7800, s12;
	s16 =	sadd.s32 $0xA000, s12  }
0xa: {  	s17 =	sadd.s32 $0xC800, s12;
	s18 =	sadd.s32 $0xF000, s12;
	s23 =	sadd.s32 $0x11800, s12  }
0xb: {  	s26 =	simm.s32 $0x14080;
	s20 =	ssub.s32 s6, s29;
	s4 =	sadd.s32 s30, s2  }
0xc: {  	s5 =	sadd.s32 s13, s2;
	s6 =	sadd.s32 s14, s2;
	s7 =	sadd.s32 s15, s2  }
0xd: {  	s8 =	sadd.s32 s16, s2;
	s9 =	sadd.s32 s17, s2;
	s10 =	sadd.s32 s18, s2  }
0xe: {  	s11 =	sadd.s32 s23, s2;
	s12 =	sadd.s32 s12, s22;
	s13 =	sadd.s32 s22, s13  }
0xf: {  	s14 =	sadd.s32 s22, s14;
	s15 =	sadd.s32 s22, s15;
	s16 =	sadd.s32 s22, s16  }
0x10: {  	s17 =	sadd.s32 s22, s17;
	s18 =	sadd.s32 s22, s18;
	s22 =	sadd.s32 s22, s23  }
0x11: {  	s31 =	sadd.s32 s25, s24;
	s24 =	simm.s32 $0x14000;
	s25 =	simm.s32 $0x50  }
0x12: {  	s12 =	sshrl.u32 s12, $0x3;
	s13 =	sshrl.u32 s13, $0x3;
	s14 =	sshrl.u32 s14, $0x3  }
0x13: {  	s15 =	sshrl.u32 s15, $0x3;
	s16 =	sshrl.u32 s16, $0x3;
	s17 =	sshrl.u32 s17, $0x3  }
0x14: {  	s18 =	sshrl.u32 s18, $0x3;
	s22 =	sshrl.u32 s22, $0x3;
	s23 =	sshrl.u32 s31, $0x3  }
0x15: {  	s20 =	smax.u32 s20, $0x1;
	s12 =	sadd.s32 s19, s12;
	s13 =	sadd.s32 s19, s13  }
0x16: {  	s14 =	sadd.s32 s19, s14;
	s15 =	sadd.s32 s19, s15;
	s16 =	sadd.s32 s19, s16  }
0x17: {  	s17 =	sadd.s32 s19, s17;
	s18 =	sadd.s32 s19, s18;
	s19 =	sadd.s32 s19, s22  }
0x18: {  	v0 =	vimm.f32 $0.0e+00;
	v1 =	vimm.f32 $1.000000000e+00;
	s21 =	sadd.s32 s23, s21;
	s22 =	simm.s32 $0x16880;
	s23 =	simm.s32 $0x1  }
.LBB2_1:
0x19: {  	s29 =	simm.s32 $0x0;
	s30 =	simm.s32 $0x200  }
.LBB2_2:
0x1a: {  	p0 =	sne.s32 s30, $0x9E00;
	[tilespmem:s29+$0x140F0] =	vst v1  }
0x1b: {  	[tilespmem:s29+$0x16880] =	vst v0  }
0x1c: {  	[tilespmem:s29+$0x14080] =	vst v1  }
0x1d: {  	[tilespmem:s29+$0x16890] =	vst v0  }
0x1e: {  	[tilespmem:s29+$0x14090] =	vst v1  }
0x1f: {  	[tilespmem:s29+$0x168A0] =	vst v0  }
0x20: {  	[tilespmem:s29+$0x140A0] =	vst v1  }
0x21: {  	[tilespmem:s29+$0x168B0] =	vst v0  }
0x22: {  	[tilespmem:s29+$0x140B0] =	vst v1  }
0x23: {  	[tilespmem:s29+$0x168C0] =	vst v0  }
0x24: {  	[tilespmem:s29+$0x140C0] =	vst v1  }
.Ltmp0:
0x25: {  	[tilespmem:s29+$0x168D0] =	vst v0;
	(pc) =	sbr.rel @p0 .LBB2_2-.Ltmp0, $4  }
0x26: {  	[tilespmem:s29+$0x140D0] =	vst v1  }
0x27: {  	[tilespmem:s29+$0x168E0] =	vst v0  }
0x28: {  	[tilespmem:s29+$0x140E0] =	vst v1  }
0x29: {  	[tilespmem:s29+$0x168F0] =	vst v0;
	s29 =	sshra.s32 s30, $0x2;
	s30 =	sadd.s32 $0x200, s30  }
0x2a: {  	[tilespmem:s29+$0x140F0] =	vst v1  }
0x2b: {  	[tilespmem:s29+$0x16880] =	vst v0  }
0x2c: {  	[tilespmem:s29+$0x14080] =	vst v1  }
0x2d: {  	[tilespmem:s29+$0x16890] =	vst v0  }
0x2e: {  	[tilespmem:s29+$0x14090] =	vst v1  }
0x2f: {  	[tilespmem:s29+$0x168A0] =	vst v0  }
0x30: {  	[tilespmem:s29+$0x140A0] =	vst v1  }
0x31: {  	[tilespmem:s29+$0x168B0] =	vst v0  }
0x32: {  	[tilespmem:s29+$0x140B0] =	vst v1  }
0x33: {  	[tilespmem:s29+$0x168C0] =	vst v0  }
0x34: {  	[tilespmem:s29+$0x140C0] =	vst v1  }
0x35: {  	[tilespmem:s29+$0x168D0] =	vst v0  }
0x36: {  	[tilespmem:s29+$0x140D0] =	vst v1  }
0x37: {  	[tilespmem:s29+$0x168E0] =	vst v0  }
0x38: {  	[tilespmem:s29+$0x140E0] =	vst v1  }
0x39: {  	[tilespmem:s29+$0x168F0] =	vst v0  }
0x3a: {  	[spmem:s4] =	stream.linear.scatter [tilespmem:s22], [sflag:$0x1], $0x2800, $0x38;
	[tilespmem:$0x19080] =	vst v63  }
0x3b: {  	_ =	swait.ge [sflag:s23], $0x2800  }
0x3c: {  	[sflag:s23] =	ssyncset.done $0x0  }
0x3d: {  	[sflag:s23] =	ssyncadd.s32 $0xFFFFD800  }
0x3e: {  	[spmem:s5] =	stream.linear.scatter [tilespmem:s22], [sflag:$0x1], $0x2800, $0x38;
	[tilespmem:$0x19080] =	vst v63  }
0x3f: {  	_ =	swait.ge [sflag:s23], $0x2800  }
0x40: {  	[sflag:s23] =	ssyncset.done $0x0  }
0x41: {  	[sflag:s23] =	ssyncadd.s32 $0xFFFFD800  }
0x42: {  	[spmem:s6] =	stream.linear.scatter [tilespmem:s22], [sflag:$0x1], $0x2800, $0x38;
	[tilespmem:$0x19080] =	vst v63  }
0x43: {  	_ =	swait.ge [sflag:s23], $0x2800  }
0x44: {  	[sflag:s23] =	ssyncset.done $0x0  }
0x45: {  	[sflag:s23] =	ssyncadd.s32 $0xFFFFD800  }
0x46: {  	[spmem:s7] =	stream.linear.scatter [tilespmem:s22], [sflag:$0x1], $0x2800, $0x38;
	[tilespmem:$0x19080] =	vst v63  }
0x47: {  	_ =	swait.ge [sflag:s23], $0x2800  }
0x48: {  	[sflag:s23] =	ssyncset.done $0x0  }
0x49: {  	[sflag:s23] =	ssyncadd.s32 $0xFFFFD800  }
0x4a: {  	[spmem:s8] =	stream.linear.scatter [tilespmem:s22], [sflag:$0x1], $0x2800, $0x38;
	[tilespmem:$0x19080] =	vst v63  }
0x4b: {  	_ =	swait.ge [sflag:s23], $0x2800  }
0x4c: {  	[sflag:s23] =	ssyncset.done $0x0  }
0x4d: {  	[sflag:s23] =	ssyncadd.s32 $0xFFFFD800  }
0x4e: {  	[spmem:s9] =	stream.linear.scatter [tilespmem:s22], [sflag:$0x1], $0x2800, $0x38;
	[tilespmem:$0x19080] =	vst v63  }
0x4f: {  	_ =	swait.ge [sflag:s23], $0x2800  }
0x50: {  	[sflag:s23] =	ssyncset.done $0x0  }
0x51: {  	[sflag:s23] =	ssyncadd.s32 $0xFFFFD800  }
0x52: {  	[spmem:s10] =	stream.linear.scatter [tilespmem:s22], [sflag:$0x1], $0x2800, $0x38;
	[tilespmem:$0x19080] =	vst v63  }
0x53: {  	_ =	swait.ge [sflag:s23], $0x2800  }
0x54: {  	[sflag:s23] =	ssyncset.done $0x0  }
0x55: {  	[sflag:s23] =	ssyncadd.s32 $0xFFFFD800  }
0x56: {  	[spmem:s11] =	stream.linear.scatter [tilespmem:s22], [sflag:$0x1], $0x2800, $0x38;
	[tilespmem:$0x19080] =	vst v63  }
0x57: {  	_ =	swait.ge [sflag:s23], $0x2800  }
0x58: {  	[sflag:s23] =	ssyncset.done $0x0  }
0x59: {  	[sflag:s23] =	ssyncadd.s32 $0xFFFFD800  }
0x5a: {  	s29 =	sadd.s32 $0x0, s21;
	[bflag:$0x0] =	sbarrier.arrive $0xFFFF  }
0x5b: {  	[tilespmem:s24], [sflag:$0x1] =	stream.linear.gather [hbm4b:s29+s3], $0x50, $0x38;
	[tilespmem:$0x19080] =	vst v63  }
0x5c: {  	_ =	swait.ge [sflag:s23], $0x50  }
0x5d: {  	[sflag:s23] =	ssyncset.done $0x0  }
0x5e: {  	[sflag:s23] =	ssyncadd.s32 $0xFFFFFFB0  }
0x5f: {  	[spmem:s2] =	stream.indirect.scatter.add.f32 [tilespmem:s26], [sflag:$0x1], $0x80, s24, s25, $0xb8;
	[tilespmem:$0x19080] =	vst v63  }
0x60: {  	_ =	swait.ge [sflag:s23], $0x2800  }
0x61: {  	s30 =	simm.s32 $0x14;
	s29 =	simm.s32 $0xA;
	[sflag:s23] =	ssyncset.done $0x0  }
.LBB2_4:
0x62: {  	s31 =	sadd.s32 s29, s21  }
0x63: {  	[sflag:s23] =	ssyncadd.s32 $0xFFFFD800;
	s29 =	smov.u32 s30;
	s0 =	sadd.s32 $0xA, s30  }
0x64: {  	[tilespmem:s24], [sflag:$0x1] =	stream.linear.gather [hbm4b:s31+s3], $0x50, $0x38;
	[tilespmem:$0x19080] =	vst v63  }
0x65: {  	p0 =	sne.s32 s30, $0x4D8;
	_ =	swait.ge [sflag:s23], $0x50  }
.Ltmp1:
0x66: {  	[sflag:s23] =	ssyncset.done $0x0;
	(pc) =	sbr.rel @p0 .LBB2_4-.Ltmp1, $4  }
0x67: {  	[sflag:s23] =	ssyncadd.s32 $0xFFFFFFB0  }
0x68: {  	[spmem:s2] =	stream.indirect.scatter.add.f32 [tilespmem:s26], [sflag:$0x1], $0x80, s24, s25, $0xb8;
	[tilespmem:$0x19080] =	vst v63  }
0x69: {  	_ =	swait.ge [sflag:s23], $0x2800  }
0x6a: {  	s30 =	smov.u32 s0;
	[sflag:s23] =	ssyncset.done $0x0  }
0x6b: {  	s0 =	sadd.s32 s29, s21;
	[sflag:s23] =	ssyncadd.s32 $0xFFFFD800  }
0x6c: {  	[tilespmem:s24], [sflag:$0x1] =	stream.linear.gather [hbm4b:s0+s3], $0x50, $0x38;
	[tilespmem:$0x19080] =	vst v63  }
0x6d: {  	_ =	swait.ge [sflag:s23], $0x50  }
0x6e: {  	[sflag:s23] =	ssyncset.done $0x0  }
0x6f: {  	[sflag:s23] =	ssyncadd.s32 $0xFFFFFFB0  }
0x70: {  	[spmem:s2] =	stream.indirect.scatter.add.f32 [tilespmem:s26], [sflag:$0x1], $0x80, s24, s25, $0xb8;
	[tilespmem:$0x19080] =	vst v63  }
0x71: {  	_ =	swait.ge [sflag:s23], $0x2800  }
0x72: {  	[sflag:s23] =	ssyncset.done $0x0  }
0x73: {  	[sflag:s23] =	ssyncadd.s32 $0xFFFFD800  }
0x74: {  	[bflag:$0x0] =	sbarrier.arrive $0xFFFF  }
0x75: {  	[tilespmem:s22], [sflag:$0x1] =	stream.linear.gather [spmem:s4], $0x2800, $0x38;
	[tilespmem:$0x19080] =	vst v63  }
0x76: {  	_ =	swait.ge [sflag:s23], $0x2800  }
0x77: {  	[sflag:s23] =	ssyncset.done $0x0  }
0x78: {  	[sflag:s23] =	ssyncadd.s32 $0xFFFFD800  }
0x79: {  	[hbm4b:s12+s3] =	stream.linear.scatter [tilespmem:s22], [sflag:$0x1], $0x2800, $0x38;
	[tilespmem:$0x19080] =	vst v63  }
0x7a: {  	_ =	swait.ge [sflag:s23], $0x2800  }
0x7b: {  	[sflag:s23] =	ssyncset.done $0x0  }
0x7c: {  	[sflag:s23] =	ssyncadd.s32 $0xFFFFD800  }
0x7d: {  	[tilespmem:s22], [sflag:$0x1] =	stream.linear.gather [spmem:s5], $0x2800, $0x38;
	[tilespmem:$0x19080] =	vst v63  }
0x7e: {  	_ =	swait.ge [sflag:s23], $0x2800  }
0x7f: {  	[sflag:s23] =	ssyncset.done $0x0  }
0x80: {  	[sflag:s23] =	ssyncadd.s32 $0xFFFFD800  }
0x81: {  	[hbm4b:s13+s3] =	stream.linear.scatter [tilespmem:s22], [sflag:$0x1], $0x2800, $0x38;
	[tilespmem:$0x19080] =	vst v63  }
0x82: {  	_ =	swait.ge [sflag:s23], $0x2800  }
0x83: {  	[sflag:s23] =	ssyncset.done $0x0  }
0x84: {  	[sflag:s23] =	ssyncadd.s32 $0xFFFFD800  }
0x85: {  	[tilespmem:s22], [sflag:$0x1] =	stream.linear.gather [spmem:s6], $0x2800, $0x38;
	[tilespmem:$0x19080] =	vst v63  }
0x86: {  	_ =	swait.ge [sflag:s23], $0x2800  }
0x87: {  	[sflag:s23] =	ssyncset.done $0x0  }
0x88: {  	[sflag:s23] =	ssyncadd.s32 $0xFFFFD800  }
0x89: {  	[hbm4b:s14+s3] =	stream.linear.scatter [tilespmem:s22], [sflag:$0x1], $0x2800, $0x38;
	[tilespmem:$0x19080] =	vst v63  }
0x8a: {  	_ =	swait.ge [sflag:s23], $0x2800  }
0x8b: {  	[sflag:s23] =	ssyncset.done $0x0  }
0x8c: {  	[sflag:s23] =	ssyncadd.s32 $0xFFFFD800  }
0x8d: {  	[tilespmem:s22], [sflag:$0x1] =	stream.linear.gather [spmem:s7], $0x2800, $0x38;
	[tilespmem:$0x19080] =	vst v63  }
0x8e: {  	_ =	swait.ge [sflag:s23], $0x2800  }
0x8f: {  	[sflag:s23] =	ssyncset.done $0x0  }
0x90: {  	[sflag:s23] =	ssyncadd.s32 $0xFFFFD800  }
0x91: {  	[hbm4b:s15+s3] =	stream.linear.scatter [tilespmem:s22], [sflag:$0x1], $0x2800, $0x38;
	[tilespmem:$0x19080] =	vst v63  }
0x92: {  	_ =	swait.ge [sflag:s23], $0x2800  }
0x93: {  	[sflag:s23] =	ssyncset.done $0x0  }
0x94: {  	[sflag:s23] =	ssyncadd.s32 $0xFFFFD800  }
0x95: {  	[tilespmem:s22], [sflag:$0x1] =	stream.linear.gather [spmem:s8], $0x2800, $0x38;
	[tilespmem:$0x19080] =	vst v63  }
0x96: {  	_ =	swait.ge [sflag:s23], $0x2800  }
0x97: {  	[sflag:s23] =	ssyncset.done $0x0  }
0x98: {  	[sflag:s23] =	ssyncadd.s32 $0xFFFFD800  }
0x99: {  	[hbm4b:s16+s3] =	stream.linear.scatter [tilespmem:s22], [sflag:$0x1], $0x2800, $0x38;
	[tilespmem:$0x19080] =	vst v63  }
0x9a: {  	_ =	swait.ge [sflag:s23], $0x2800  }
0x9b: {  	[sflag:s23] =	ssyncset.done $0x0  }
0x9c: {  	[sflag:s23] =	ssyncadd.s32 $0xFFFFD800  }
0x9d: {  	[tilespmem:s22], [sflag:$0x1] =	stream.linear.gather [spmem:s9], $0x2800, $0x38;
	[tilespmem:$0x19080] =	vst v63  }
0x9e: {  	_ =	swait.ge [sflag:s23], $0x2800  }
0x9f: {  	[sflag:s23] =	ssyncset.done $0x0  }
0xa0: {  	[sflag:s23] =	ssyncadd.s32 $0xFFFFD800  }
0xa1: {  	[hbm4b:s17+s3] =	stream.linear.scatter [tilespmem:s22], [sflag:$0x1], $0x2800, $0x38;
	[tilespmem:$0x19080] =	vst v63  }
0xa2: {  	_ =	swait.ge [sflag:s23], $0x2800  }
0xa3: {  	[sflag:s23] =	ssyncset.done $0x0  }
0xa4: {  	[sflag:s23] =	ssyncadd.s32 $0xFFFFD800  }
0xa5: {  	[tilespmem:s22], [sflag:$0x1] =	stream.linear.gather [spmem:s10], $0x2800, $0x38;
	[tilespmem:$0x19080] =	vst v63  }
0xa6: {  	_ =	swait.ge [sflag:s23], $0x2800  }
0xa7: {  	[sflag:s23] =	ssyncset.done $0x0  }
0xa8: {  	[sflag:s23] =	ssyncadd.s32 $0xFFFFD800  }
0xa9: {  	[hbm4b:s18+s3] =	stream.linear.scatter [tilespmem:s22], [sflag:$0x1], $0x2800, $0x38;
	[tilespmem:$0x19080] =	vst v63  }
0xaa: {  	_ =	swait.ge [sflag:s23], $0x2800  }
0xab: {  	[sflag:s23] =	ssyncset.done $0x0  }
0xac: {  	[sflag:s23] =	ssyncadd.s32 $0xFFFFD800  }
0xad: {  	[tilespmem:s22], [sflag:$0x1] =	stream.linear.gather [spmem:s11], $0x2800, $0x38;
	[tilespmem:$0x19080] =	vst v63  }
0xae: {  	s28 =	sadd.s32 $0x1, s28;
	_ =	swait.ge [sflag:s23], $0x2800  }
0xaf: {  	p0 =	sne.s32 s28, s20;
	[sflag:s23] =	ssyncset.done $0x0  }
.Ltmp2:
0xb0: {  	[sflag:s23] =	ssyncadd.s32 $0xFFFFD800;
	(pc) =	sbr.rel @p0 .LBB2_1-.Ltmp2, $4  }
0xb1: {  	[hbm4b:s19+s3] =	stream.linear.scatter [tilespmem:s22], [sflag:$0x1], $0x2800, $0x38;
	[tilespmem:$0x19080] =	vst v63  }
0xb2: {  	_ =	swait.ge [sflag:s23], $0x2800  }
0xb3: {  	[sflag:s23] =	ssyncset.done $0x0  }
0xb4: {  	[sflag:s23] =	ssyncadd.s32 $0xFFFFD800  }
0xb5: {  	_ =	sfence.sel $0x180000  }
0xb6: {  	[bflag:$0x0] =	sbarrier.arrive $0xFFFF  }
0xb7: {  	_ =	strace $0x9000004A  }
0xb8: {  	[bflag:$0x2] =	sbarrier.arrive $0xFFFF  }
0xb9: {  	p0 =	sne.s32 s1, $0x0;
	s0 =	rddreg [dreg:$0x3]  }
0xba: {  	s0 =	sadd.s32 @!p0 $0x100000, s0  }
0xbb: {  	[sflag:s0] =	ssyncadd.tile.s32 @!p0 $0x1;
	_ =	shalt  }
.Lfunc_end2:
_tile_overlayer_lowered:
.L_overlay_start_2:
0xbc: {  	(tag) =	ssettag $0x2  }
0xbd: {  	s0 =	rddreg [dreg:$0x0];
	s2 =	stileid.u32  }
0xbe: {  	s1 =	rddreg [dreg:$0x1];
	p0 =	sne.s32 s2, $0x0  }
0xbf: {  	s3 =	rddreg [dreg:$0x2];
	[bflag:$0x3] =	sbarrier.arrive $0xFFFF;
	s2 =	simm.s32 @!p0 $0x1C01  }
0xc0: {  	[timem:s3], [sflag:s2] =	dma.local @!p0 [hbm:s0], s1  }
0xc1: {  	s0 =	simm.s32 @!p0 $0x1  }
0xc2: {  	_ =	swait.ge @!p0 [sflag:s0], s1  }
0xc3: {  	s1 =	ssub.s32 @!p0 $0x0, s1;
	[sflag:s0] =	ssyncset.done @!p0 $0x0  }
0xc4: {  	[sflag:s0] =	ssyncadd.s32 @!p0 s1  }
0xc5: {  	[bflag:$0x3] =	sbarrier.arrive $0xFFFF  }
0xc6: {  	_ =	shalt  }

// kernel: kernel.8.cloned.1.call-start
scs
__scs_entry_jumppad:
0x0: {  	(pc) =	sbr.rel $0x88, $3  }
0x1: {  	(tag) =	ssettag $0x0;
	lr =	simm.s32 $0x1  }
0x2: {  	[smem:$0x3F98] =	sst lr;
	_ =	strace $0xD0000000  }
0x3: {  	_ = 	snop  }
0x4: {  	_ = 	snop  }
0x5: {  	_ = 	snop  }
0x6: {  	_ = 	snop  }
0x7: {  	_ = 	snop  }
__scs_overlays_trampoline_lowered:
0x8: {  	[smem:$0x3FA7] =	sst s0  }
0x9: {  	[smem:$0x3FA8] =	sst s1  }
0xa: {  	[smem:$0x3FA9] =	sst s2  }
0xb: {  	[smem:$0x3FAA] =	sst s3  }
0xc: {  	[smem:$0x3FAB] =	sst s4  }
0xd: {  	[smem:$0x3FAC] =	sst s5  }
0xe: {  	[smem:$0x3FAD] =	sst s6  }
0xf: {  	[smem:$0x3FAE] =	sst s7  }
0x10: {  	[smem:$0x3FAF] =	sst s8  }
0x11: {  	[smem:$0x3FB0] =	sst s9;
	s0 =	simm.s32 @!p0 $0x0  }
0x12: {  	s1 =	sld [smem:$0x3F96];
	s0 =	simm.s32 @p0 $0x1  }
0x13: {  	[smem:$0x3FB1] =	sst s0;
	s0 =	simm.s32 @!p1 $0x0  }
0x14: {  	s2 =	sld [smem:$0x3F95];
	s0 =	simm.s32 @p1 $0x1  }
0x15: {  	[smem:$0x3FB2] =	sst s0;
	s0 =	simm.s32 @!p2 $0x0  }
0x16: {  	s3 =	sld [smem:$0x3FDB];
	s0 =	simm.s32 @p2 $0x1  }
0x17: {  	s4 =	simm.s32 $0x1BF5;
	[smem:$0x3FB4] =	sst s0  }
0x18: {  	s0 =	sld [smem:$0x3F97];
	_ =	swait.ge [sflag:s4], $0x0  }
0x19: {  	s7 =	sld [smem:$0x3F98]  }
0x1a: {  	s8 =	sadd.s32 $0xFFFFE003, lr  }
0x1b: {  	s9 =	sadd.s32 $0xFFFFFEF7, lr;
	s5 =	simm.s32 $0xFFFFFFFF;
	p2 =	slt.u32 s8, $0xFFFFF086  }
0x1c: {  	p1 =	slt.u32 s9, $0xF7A;
	s5 =	simm.s32 @!p2 $0x0  }
0x1d: {  	s5 =	simm.s32 @p1 $0x1;
	p0 =	seq.s32 s7, s2  }
0x1e: {  	s7 =	smul.u32 @!p0 $0xF7A, s2;
	p2 =	seq.s32 @!p0 s5, $0x0  }
0x1f: {  	s9 =	smul.u32 $0xF7A, s1;
	s8 =	simm.s32 @!p0 $0x1BF5;
	p2 =	por !p2, p0  }
0x20: {  	[sflag:s8] =	ssyncset.s32 @!p0 $0xFFFFF086;
	s6 =	sadd.s32 @!p0 s3, s7;
	s7 =	simm.s32 @!p0 $0x108  }
0x21: {  	s3 =	sadd.s32 s3, s9;
	s6 =	sadd.s32 @!p0 $0x88, s6;
	s7 =	simm.s32 @p2 $0x1082  }
0x22: {  	[simem:s7], [sflag:s8] =	dma.local @!p0 [hbm:s6], $0xF7A  }
0x23: {  	s9 =	sor.u32 $0xD0000000, s2;
	s6 =	simm.s32 $0x108;
	_ =	swait.ge @!p0 [sflag:s8], $0x0  }
0x24: {  	s3 =	sadd.s32 $0x88, s3;
	s6 =	simm.s32 @!p1 $0x1082;
	[sflag:s4] =	ssyncset.s32 $0xFFFFF086  }
0x25: {  	[simem:s6], [sflag:s4] =	dma.local [hbm:s3], $0xF7A  }
0x26: {  	[smem:$0x3F98] =	sst s1;
	(tag) =	ssettag s2;
	_ =	strace s9  }
0x27: {  	s1 =	sld [smem:$0x3FA8]  }
0x28: {  	s2 =	sld [smem:$0x3FA9]  }
0x29: {  	s4 =	sld [smem:$0x3FAB]  }
0x2a: {  	p0 =	seq.s32 s5, $0x0;
	s5 =	sld [smem:$0x3FAC]  }
0x2b: {  	s6 =	sld [smem:$0x3FAD]  }
0x2c: {  	s7 =	sld [smem:$0x3FAE]  }
0x2d: {  	s3 =	simm.s32 $0x108;
	s8 =	sld [smem:$0x3FAF]  }
0x2e: {  	s3 =	simm.s32 @!p0 $0x1082;
	s9 =	sld [smem:$0x3FB0]  }
0x2f: {  	lr =	sadd.s32 s0, s3;
	s0 =	sld [smem:$0x3FA7]  }
0x30: {  	s3 =	sld [smem:$0x3FAA]  }
0x31: {  	[smem:$0x3FB3] =	sst s10  }
0x32: {  	s10 =	sld [smem:$0x3FB1];
	_ =	sdelay $0x3  }
0x33: {  	p0 =	seq.s32 s10, $0x1;
	s10 =	sld [smem:$0x3FB3];
	_ =	sdelay $0x3  }
0x34: {  	[smem:$0x3FB3] =	sst s10  }
0x35: {  	s10 =	sld [smem:$0x3FB2];
	_ =	sdelay $0x3  }
0x36: {  	p1 =	seq.s32 s10, $0x1;
	s10 =	sld [smem:$0x3FB3];
	_ =	sdelay $0x3  }
0x37: {  	[smem:$0x3FB3] =	sst s10  }
0x38: {  	s10 =	sld [smem:$0x3FB4]  }
0x39: {  	_ = 	snop;
	(pc) =	sbr.ind lr, $3  }
0x3a: {  	_ = 	snop  }
0x3b: {  	_ = 	snop  }
0x3c: {  	p2 =	seq.s32 s10, $0x1;
	s10 =	sld [smem:$0x3FB3]  }
0x3d: {  	_ =	shalt  }
0x3e: {  	_ =	shalt  }
0x3f: {  	_ =	shalt  }
0x40: {  	_ =	shalt  }
0x41: {  	_ =	shalt  }
0x42: {  	_ =	shalt  }
0x43: {  	_ =	shalt  }
0x44: {  	_ =	shalt  }
0x45: {  	_ =	shalt  }
0x46: {  	_ =	shalt  }
0x47: {  	_ =	shalt  }
0x48: {  	_ =	shalt  }
0x49: {  	_ =	shalt  }
0x4a: {  	_ =	shalt  }
0x4b: {  	_ =	shalt  }
0x4c: {  	_ =	shalt  }
0x4d: {  	_ =	shalt  }
0x4e: {  	_ =	shalt  }
0x4f: {  	_ =	shalt  }
0x50: {  	_ =	shalt  }
0x51: {  	_ =	shalt  }
0x52: {  	_ =	shalt  }
0x53: {  	_ =	shalt  }
0x54: {  	_ =	shalt  }
0x55: {  	_ =	shalt  }
0x56: {  	_ =	shalt  }
0x57: {  	_ =	shalt  }
0x58: {  	_ =	shalt  }
0x59: {  	_ =	shalt  }
0x5a: {  	_ =	shalt  }
0x5b: {  	_ =	shalt  }
0x5c: {  	_ =	shalt  }
0x5d: {  	_ =	shalt  }
0x5e: {  	_ =	shalt  }
0x5f: {  	_ =	shalt  }
0x60: {  	_ =	shalt  }
0x61: {  	_ =	shalt  }
0x62: {  	_ =	shalt  }
0x63: {  	_ =	shalt  }
0x64: {  	_ =	shalt  }
0x65: {  	_ =	shalt  }
0x66: {  	_ =	shalt  }
0x67: {  	_ =	shalt  }
0x68: {  	_ =	shalt  }
0x69: {  	_ =	shalt  }
0x6a: {  	_ =	shalt  }
0x6b: {  	_ =	shalt  }
0x6c: {  	_ =	shalt  }
0x6d: {  	_ =	shalt  }
0x6e: {  	_ =	shalt  }
0x6f: {  	_ =	shalt  }
0x70: {  	_ =	shalt  }
0x71: {  	_ =	shalt  }
0x72: {  	_ =	shalt  }
0x73: {  	_ =	shalt  }
0x74: {  	_ =	shalt  }
0x75: {  	_ =	shalt  }
0x76: {  	_ =	shalt  }
0x77: {  	_ =	shalt  }
0x78: {  	_ =	shalt  }
0x79: {  	_ =	shalt  }
0x7a: {  	_ =	shalt  }
0x7b: {  	_ =	shalt  }
0x7c: {  	_ =	shalt  }
0x7d: {  	_ =	shalt  }
0x7e: {  	_ =	shalt  }
0x7f: {  	_ =	shalt  }
0x80: {  	_ =	shalt  }
0x81: {  	_ =	shalt  }
0x82: {  	_ =	shalt  }
0x83: {  	_ =	shalt  }
0x84: {  	_ =	shalt  }
0x85: {  	_ =	shalt  }
0x86: {  	_ =	shalt  }
0x87: {  	_ =	shalt  }
.Lfunc_end0:
.L_simem_size_0:
called_computation.1_lowered:
.L_overlay_start_0:
0x88: {  	s2 =	sld [smem:$0x3FD9]  }
0x89: {  	s3 =	sld [smem:$0x3FFE];
	_ =	sdelay $0x1  }
0x8a: {  	s1 =	srdreg.scid  }
0x8b: {  	s0 =	sand.u32 $0x1, s1  }
0x8c: {  	s17 =	sshll.u32 s0, $0xA;
	s2 =	sadd.s32 s3, s2  }
0x8d: {  	s2 =	sadd.s32 s2, s17  }
0x8e: {  	[smem:$0x3FBF] =	sst s2  }
0x8f: {  	_ = 	snop  }
0x90: {  	s2 =	sld [smem:$0x3FC9]  }
0x91: {  	s18 =	sld [smem:$0x3FC8]  }
0x92: {  	s4 =	sld [smem:$0x3FC1]  }
0x93: {  	s5 =	sld [smem:$0x3FD0];
	(tm) =	ssettm $0x1  }
0x94: {  	s6 =	sld [smem:$0x3FFB];
	_ =	sdelay $0x3  }
0x95: {  	_ =	strace s6  }
0x96: {  	s6 =	sld [smem:$0x3FFC];
	_ =	sdelay $0x3  }
0x97: {  	_ =	strace s6  }
0x98: {  	s6 =	sld [smem:$0x3FFD];
	_ =	sdelay $0x3  }
0x99: {  	_ =	strace s6  }
0x9a: {  	_ =	strace $0x8FFFFFFF  }
0x9b: {  	s19 =	sld [smem:$0x3FDB];
	_ =	sdelay $0x1  }
0x9c: {  	s7 =	simm.s32 $_scs_section_size  }
0x9d: {  	s8 =	simm.s32 $_size__tile_overlayer_lowered;
	s9 =	simm.s32 $_tile_overlayer_lowered  }
0x9e: {  	s22 =	simm.s32 $0x1BFF;
	s21 =	sshll.u32 s9, $0x1;
	s6 =	sadd.s32 s7, s19  }
0x9f: {  	s10 =	simm.s32 $0x0;
	s20 =	sshll.u32 s8, $0x1;
	s8 =	sadd.s32 s21, s6  }
0xa0: {  	[timem:s10], [sflag:s22] =	dma.local [hbm:s8], s20  }
0xa1: {  	_ =	swait.ge [sflag:s22], s20  }
0xa2: {  	s7 =	ssub.s32 $0x0, s20;
	[sflag:s22] =	ssyncset.done $0x0  }
0xa3: {  	[sflag:s22] =	ssyncadd.s32 s7;
	_ =	sdelay $0x1  }
0xa4: {  	s23 =	simm.s32 $0x1B8B  }
0xa5: {  	_ =	swait.ge [sflag:s23], $0x1  }
0xa6: {  	[sflag:s23] =	ssyncset.done $0x0  }
0xa7: {  	s25 =	simm.s32 $0x1B8E;
	s24 =	sld [smem:$0x3FFE];
	[sflag:s23] =	ssyncadd.s32 $0xFFFFFFFF  }
0xa8: {  	s26 =	simm.s32 $execute0_lowered;
	[smem:$0x3FD2] =	sst s25  }
0xa9: {  	s8 =	sshll.u32 s26, $0x1;
	_ =	strace $0x80000046;
	[dreg:$0x1] =	wrdreg $0xFFFFFFFF  }
0xaa: {  	s28 =	simm.s32 $_size_execute0_lowered;
	s6 =	sadd.s32 s6, s8;
	[dreg:$0x0] =	wrdreg $0x0  }
0xab: {  	s8 =	sshll.u32 s28, $0x1;
	[dreg:$0x2] =	wrdreg s6  }
0xac: {  	[dreg:$0x3] =	wrdreg s8  }
0xad: {  	[dreg:$0x4] =	wrdreg $0xC0  }
0xae: {  	_ =	task [dreg:s10], $0x5FFFF  }
0xaf: {  	[dreg:$0x1] =	wrdreg $0xFFFFFFFF  }
0xb0: {  	[dreg:$0x0] =	wrdreg $0x60  }
0xb1: {  	[dreg:$0x2] =	wrdreg s24  }
0xb2: {  	[dreg:$0x3] =	wrdreg s5  }
0xb3: {  	[dreg:$0x4] =	wrdreg s4  }
0xb4: {  	[dreg:$0x5] =	wrdreg s2  }
0xb5: {  	[dreg:$0x6] =	wrdreg s18  }
0xb6: {  	[dreg:$0x7] =	wrdreg $0x0  }
0xb7: {  	[dreg:$0x8] =	wrdreg $0xA  }
0xb8: {  	_ =	task.clear_ibuf [dreg:s10], $0x9FFFF;
	_ =	strace $0x90000046  }
0xb9: {  	s29 =	simm.s32 $0xA;
	_ =	strace $0x80000048  }
0xba: {  	_ =	swait.ge [sflag:s29], $0x1  }
0xbb: {  	[sflag:s29] =	ssyncadd.s32 $0xFFFFFFFF  }
0xbc: {  	_ =	strace $0x90000048  }
0xbd: {  	_ =	sfence  }
0xbe: {  	s30 =	sld [smem:$0x0];
	_ =	sdelay $0x2  }
0xbf: {  	s31 =	sshll.u32 s1, $0xD;
	s1 =	sshrl.u32 s1, $0x2  }
0xc0: {  	s3 =	sand.u32 $0x4000, s31;
	s1 =	sadd.s32 s1, s30  }
0xc1: {  	s0 =	sor.u32 s3, s0;
	s1 =	sshll.u32 s1, $0x11  }
0xc2: {  	s0 =	sor.u32 s1, s0  }
0xc3: {  	s0 =	sadd.s32 $0x8F2B, s0  }
0xc4: {  	[sflag:s0] =	ssyncadd.remote.s32 $0x1  }
0xc5: {  	_ =	sfence.sel $0xFFFF  }
0xc6: {  	[dreg:$0x0] =	wrdreg $0xFFFFFFFF;
	(pc) =	sbr.abs _section_cstart, $3  }
0xc7: {  	[dreg:$0x1] =	wrdreg $0xFFFFFFFF  }
0xc8: {  	_ =	task.clear_ibuf [dreg:s10], $0x2FFFF;
	_ =	strace $0x9FFFFFFF  }
0xc9: {  	(tm) =	ssettm $0x7FFFFFFF  }
tec
execute0_lowered:
.L_overlay_start_1:
0x0: {  	(tag) =	ssettag $0x1  }
0x1: {  	s2 =	rddreg [dreg:$0x0]  }
0x2: {  	s0 =	rddreg [dreg:$0x1]  }
0x3: {  	s1 =	rddreg [dreg:$0x2]  }
0x4: {  	s3 =	rddreg [dreg:$0x3]  }
0x5: {  	s4 =	rddreg [dreg:$0x4]  }
0x6: {  	s6 =	srdreg.scid;
	s5 =	simm.s32 $0x0;
	s17 =	stileid.u32  }
0x7: {  	s28 =	simm.s32 $0x14180;
	s29 =	simm.s32 $0x3;
	s8 =	smul.u32 $0x14000, s17  }
0x8: {  	s30 =	simm.s32 $0x14000;
	s31 =	simm.s32 $0x14100;
	s11 =	smul.u32 $0x50000, s17  }
0x9: {  	s6 =	sand.u32 $0x1, s6;
	[smem:$0x7FF] =	sst s5;
	s22 =	smul.u32 $0x2710, s17  }
0xa: {  	s9 =	sadd.s32 $0xAA00, s2;
	s7 =	ssub.s32 $0x2, s6;
	s12 =	smul.u32 $0x27100, s6  }
0xb: {  	s15 =	smul.u32 $0x140000, s6;
	s10 =	sshrl.u32 s7, $0x1;
	s13 =	sadd.s32 $0x5000, s8  }
0xc: {  	s14 =	sadd.s32 $0x7800, s8;
	s16 =	sadd.s32 $0xA000, s8;
	s23 =	sadd.s32 $0xC800, s8  }
0xd: {  	s24 =	sadd.s32 $0xF000, s8;
	s25 =	sadd.s32 $0x11800, s8;
	s7 =	ssub.s32 s7, s10  }
0xe: {  	s10 =	sor.u32 $0x2800, s8;
	s8 =	sadd.s32 s8, s15;
	s6 =	sadd.s32 s22, s12  }
0xf: {  	s17 =	sadd.s32 s15, s13;
	s19 =	sadd.s32 s15, s14;
	s21 =	sadd.s32 s15, s16  }
0x10: {  	s8 =	sshrl.u32 s8, $0x3;
	s26 =	sadd.s32 s15, s10;
	s18 =	sshrl.u32 s17, $0x3  }
0x11: {  	s20 =	sshrl.u32 s19, $0x3;
	s22 =	sshrl.u32 s21, $0x3;
	s8 =	sadd.s32 s9, s8  }
0x12: {  	s12 =	sshrl.u32 s26, $0x3;
	s26 =	sadd.s32 s15, s23;
	[dreg:$0x7] =	wrdreg s8  }
0x13: {  	s8 =	sadd.s32 s9, s12;
	s17 =	sshrl.u32 s26, $0x3;
	s26 =	smax.u32 s7, $0x1  }
0x14: {  	s7 =	simm.s32 $0x16980;
	[dreg:$0x8] =	wrdreg s8;
	s8 =	sadd.s32 s9, s18  }
0x15: {  	s18 =	sadd.s32 s15, s24;
	[dreg:$0x9] =	wrdreg s8;
	s8 =	sadd.s32 s9, s20  }
0x16: {  	s19 =	sshrl.u32 s18, $0x3;
	s20 =	sadd.s32 s15, s25;
	s15 =	rddreg [dreg:$0x5]  }
0x17: {  	[dreg:$0xa] =	wrdreg s8;
	s8 =	sadd.s32 s9, s22;
	s21 =	sshrl.u32 s20, $0x3  }
0x18: {  	s22 =	sshrl.u32 s11, $0x2;
	s20 =	sadd.s32 s13, s15;
	s23 =	sadd.s32 s23, s15  }
0x19: {  	s24 =	sadd.s32 s24, s15;
	s25 =	sadd.s32 s25, s15;
	s13 =	simm.s32 $0x14080  }
0x1a: {  	[dreg:$0xb] =	wrdreg s8;
	s8 =	sadd.s32 s9, s17;
	s17 =	sadd.s32 $0xC00, s2  }
0x1b: {  	s18 =	sadd.s32 s22, s15;
	s22 =	sadd.s32 s16, s15;
	s2 =	simm.s32 $0x50  }
0x1c: {  	[dreg:$0xc] =	wrdreg s8;
	s8 =	sadd.s32 s9, s19;
	s19 =	sadd.s32 s10, s15  }
0x1d: {  	s10 =	simm.s32 $0x0;
	[dreg:$0xd] =	wrdreg s8;
	s8 =	sadd.s32 s9, s21  }
0x1e: {  	s21 =	sadd.s32 s14, s15;
	s9 =	simm.s32 $0x2;
	[dreg:$0xe] =	wrdreg s8  }
0x1f: {  	v0 =	vimm.f32 $0.0e+00;
	s8 =	simm.s32 $0x1;
	_ =	strace $0x80000047;
	[dreg:$0xf] =	wrdreg s26  }
.LBB2_1:
0x20: {  	s11 =	simm.s32 $0x0;
	s12 =	simm.s32 $0x200  }
.LBB2_2:
0x21: {  	p0 =	sne.s32 s12, $0x9E00;
	[tilespmem:s11+$0x141F0] =	vst v0  }
0x22: {  	[tilespmem:s11+$0x14180] =	vst v0  }
0x23: {  	[tilespmem:s11+$0x14190] =	vst v0  }
.Ltmp0:
0x24: {  	[tilespmem:s11+$0x141A0] =	vst v0;
	(pc) =	sbr.rel @p0 .LBB2_2-.Ltmp0, $4  }
0x25: {  	[tilespmem:s11+$0x141B0] =	vst v0  }
0x26: {  	[tilespmem:s11+$0x141C0] =	vst v0  }
0x27: {  	[tilespmem:s11+$0x141D0] =	vst v0  }
0x28: {  	[tilespmem:s11+$0x141E0] =	vst v0;
	s11 =	sshra.s32 s12, $0x2;
	s12 =	sadd.s32 $0x200, s12  }
0x29: {  	[tilespmem:s11+$0x141F0] =	vst v0  }
0x2a: {  	[tilespmem:s11+$0x14180] =	vst v0  }
0x2b: {  	[tilespmem:s11+$0x14190] =	vst v0  }
0x2c: {  	[tilespmem:s11+$0x141A0] =	vst v0  }
0x2d: {  	[tilespmem:s11+$0x141B0] =	vst v0  }
0x2e: {  	[tilespmem:s11+$0x141C0] =	vst v0  }
0x2f: {  	[tilespmem:s11+$0x141D0] =	vst v0  }
0x30: {  	[tilespmem:s11+$0x141E0] =	vst v0  }
0x31: {  	[spmem:s18] =	stream.linear.scatter [tilespmem:s28], [sflag:$0x3], $0x2800, $0x38;
	[tilespmem:$0x19180] =	vst v63  }
0x32: {  	_ =	swait.ge [sflag:s29], $0x2800  }
0x33: {  	[sflag:s29] =	ssyncset.done $0x0  }
0x34: {  	[sflag:s29] =	ssyncadd.s32 $0xFFFFD800  }
0x35: {  	[spmem:s19] =	stream.linear.scatter [tilespmem:s28], [sflag:$0x3], $0x2800, $0x38;
	[tilespmem:$0x19180] =	vst v63  }
0x36: {  	_ =	swait.ge [sflag:s29], $0x2800  }
0x37: {  	[sflag:s29] =	ssyncset.done $0x0  }
0x38: {  	[sflag:s29] =	ssyncadd.s32 $0xFFFFD800  }
0x39: {  	[spmem:s20] =	stream.linear.scatter [tilespmem:s28], [sflag:$0x3], $0x2800, $0x38;
	[tilespmem:$0x19180] =	vst v63  }
0x3a: {  	_ =	swait.ge [sflag:s29], $0x2800  }
0x3b: {  	[sflag:s29] =	ssyncset.done $0x0  }
0x3c: {  	[sflag:s29] =	ssyncadd.s32 $0xFFFFD800  }
0x3d: {  	[spmem:s21] =	stream.linear.scatter [tilespmem:s28], [sflag:$0x3], $0x2800, $0x38;
	[tilespmem:$0x19180] =	vst v63  }
0x3e: {  	_ =	swait.ge [sflag:s29], $0x2800  }
0x3f: {  	[sflag:s29] =	ssyncset.done $0x0  }
0x40: {  	[sflag:s29] =	ssyncadd.s32 $0xFFFFD800  }
0x41: {  	[spmem:s22] =	stream.linear.scatter [tilespmem:s28], [sflag:$0x3], $0x2800, $0x38;
	[tilespmem:$0x19180] =	vst v63  }
0x42: {  	_ =	swait.ge [sflag:s29], $0x2800  }
0x43: {  	[sflag:s29] =	ssyncset.done $0x0  }
0x44: {  	[sflag:s29] =	ssyncadd.s32 $0xFFFFD800  }
0x45: {  	[spmem:s23] =	stream.linear.scatter [tilespmem:s28], [sflag:$0x3], $0x2800, $0x38;
	[tilespmem:$0x19180] =	vst v63  }
0x46: {  	_ =	swait.ge [sflag:s29], $0x2800  }
0x47: {  	[sflag:s29] =	ssyncset.done $0x0  }
0x48: {  	[sflag:s29] =	ssyncadd.s32 $0xFFFFD800  }
0x49: {  	[spmem:s24] =	stream.linear.scatter [tilespmem:s28], [sflag:$0x3], $0x2800, $0x38;
	[tilespmem:$0x19180] =	vst v63  }
0x4a: {  	_ =	swait.ge [sflag:s29], $0x2800  }
0x4b: {  	[sflag:s29] =	ssyncset.done $0x0  }
0x4c: {  	[sflag:s29] =	ssyncadd.s32 $0xFFFFD800  }
0x4d: {  	[spmem:s25] =	stream.linear.scatter [tilespmem:s28], [sflag:$0x3], $0x2800, $0x38;
	[tilespmem:$0x19180] =	vst v63  }
0x4e: {  	_ =	swait.ge [sflag:s29], $0x2800  }
0x4f: {  	[sflag:s29] =	ssyncset.done $0x0  }
0x50: {  	[sflag:s29] =	ssyncadd.s32 $0xFFFFD800  }
0x51: {  	s11 =	simm.s32 $0x0;
	s12 =	simm.s32 $0x0;
	[bflag:$0x0] =	sbarrier.arrive $0xFFFF  }
.LBB2_4:
0x52: {  	s14 =	smul.u32 $0x50, s12;
	_ =	sdelay $0x1  }
0x53: {  	s14 =	sadd.s32 s14, s6  }
0x54: {  	s14 =	sshrl.u32 s14, $0x3  }
0x55: {  	s16 =	sadd.s32 s17, s14  }
0x56: {  	[tilespmem:s30], [sflag:$0x3] =	stream.linear.gather [hbm4b:s16+s11], $0x50, $0x38;
	[tilespmem:$0x19180] =	vst v63  }
0x57: {  	_ =	swait.ge [sflag:s29], $0x50  }
0x58: {  	[sflag:s29] =	ssyncset.done $0x0  }
0x59: {  	s26 =	sadd.s32 s1, s14;
	[sflag:s29] =	ssyncadd.s32 $0xFFFFFFB0  }
0x5a: {  	[tilespmem:s31], [sflag:$0x3] =	stream.linear.gather [hbm4b:s26+s11], $0x50, $0x38;
	[tilespmem:$0x19180] =	vst v63  }
0x5b: {  	_ =	swait.ge [sflag:s29], $0x50  }
0x5c: {  	[sflag:s29] =	ssyncset.done $0x0  }
0x5d: {  	s14 =	sadd.s32 s0, s14;
	[sflag:s29] =	ssyncadd.s32 $0xFFFFFFB0  }
0x5e: {  	[tilespmem:s13], [sflag:$0x3] =	stream.linear.gather [hbm4b:s14+s11], $0x50, $0x38;
	[tilespmem:$0x19180] =	vst v63  }
0x5f: {  	_ =	swait.ge [sflag:s29], $0x50  }
0x60: {  	[sflag:s29] =	ssyncset.done $0x0  }
0x61: {  	[sflag:s29] =	ssyncadd.s32 $0xFFFFFFB0  }
0x62: {  	[tilespmem:s28], [sflag:$0x1] =	stream.indirect.gather [hbm4b:s3+s2], $0x80, s30, s2, $0xb8;
	[tilespmem:$0x19180] =	vst v63  }
0x63: {  	_ = 	snop  }
0x64: {  	[tilespmem:s7], [sflag:$0x2] =	stream.indirect.gather [hbm4b:s4+s2], $0x80, s31, s2, $0xb8;
	[tilespmem:$0x19180] =	vst v63  }
0x65: {  	_ =	swait.ge [sflag:s8], $0x2800  }
0x66: {  	[sflag:s8] =	ssyncset.done $0x0  }
0x67: {  	[sflag:s8] =	ssyncadd.s32 $0xFFFFD800  }
0x68: {  	_ =	swait.ge [sflag:s9], $0x2800  }
0x69: {  	[sflag:s9] =	ssyncset.done $0x0  }
0x6a: {  	s14 =	simm.s32 $0x0;
	[sflag:s9] =	ssyncadd.s32 $0xFFFFD800  }
0x6b: {  	v1 =	vld [tilespmem:s14+$0x16990]  }
0x6c: {  	v8 =	vld [tilespmem:s14+$0x169A0]  }
0x6d: {  	v7 =	vld [tilespmem:s14+$0x169F0]  }
0x6e: {  	v11 =	vld [tilespmem:s14+$0x169E0]  }
0x6f: {  	v4 =	vld [tilespmem:s14+$0x141E0]  }
0x70: {  	v15 =	vld [tilespmem:s14+$0x141F0]  }
0x71: {  	v2 =	vld [tilespmem:s14+$0x169C0]  }
0x72: {  	v14 =	vld [tilespmem:s14+$0x141B0]  }
0x73: {  	v13 =	vld [tilespmem:s14+$0x141A0]  }
0x74: {  	v16 =	vld [tilespmem:s14+$0x169B0]  }
0x75: {  	v5 =	vld [tilespmem:s14+$0x14190]  }
0x76: {  	v6 =	vld [tilespmem:s14+$0x141C0];
	v3 =	vmul.f32 v11, v4;
	v9 =	vmul.f32 v8, v4  }
0x77: {  	v4 =	vld [tilespmem:s14+$0x169D0];
	v10 =	vmul.f32 v7, v15;
	v12 =	vmul.f32 v7, v14  }
0x78: {  	v7 =	vld [tilespmem:s14+$0x16980];
	v8 =	vmul.f32 v8, v13;
	v13 =	vmul.f32 v11, v13  }
0x79: {  	s16 =	simm.s32 $0x200;
	v11 =	vld [tilespmem:s14+$0x14180];
	v14 =	vmul.f32 v16, v14;
	v15 =	vmul.f32 v16, v15  }
.LBB2_5:
0x7a: {  	s26 =	sshra.s32 s16, $0x2;
	p0 =	sne.s32 s16, $0x9E00;
	s16 =	sadd.s32 $0x200, s16;
	v16 =	vld [tilespmem:s14+$0x141D0]  }
0x7b: {  	v17 =	vld [tilespmem:s26+$0x16990];
	v12 =	vadd.f32 v12, v15  }
0x7c: {  	v9 =	vadd.f32 v13, v9;
	v19 =	vmul.f32 v4, v5;
	v15 =	vld [tilespmem:s26+$0x169A0];
	v18 =	vmul.f32 v2, v6  }
0x7d: {  	v5 =	vmul.f32 v1, v5;
	v10 =	vsub.f32 v14, v10;
	v13 =	vld [tilespmem:s26+$0x169F0];
	[tilespmem:s14+$0x141F0] =	vst v12  }
0x7e: {  	v6 =	vmul.f32 v7, v6;
	v14 =	vld [tilespmem:s26+$0x169E0];
	v2 =	vmul.f32 v2, v11;
	[tilespmem:s14+$0x141E0] =	vst v9  }
0x7f: {  	v7 =	vmul.f32 v7, v11;
	v9 =	vld [tilespmem:s26+$0x141E0];
	v4 =	vmul.f32 v4, v16;
	[tilespmem:s14+$0x141B0] =	vst v10  }
0x80: {  	v3 =	vsub.f32 v8, v3;
	v10 =	vmul.f32 v1, v16;
	v20 =	vld [tilespmem:s26+$0x141F0];
	v6 =	vadd.f32 v2, v6;
	v1 =	vmovc v17  }
0x81: {  	v7 =	vsub.f32 v7, v18;
	v2 =	vld [tilespmem:s26+$0x169C0];
	v4 =	vsub.f32 v5, v4  }
0x82: {  	v8 =	vadd.f32 v19, v10;
	v16 =	vld [tilespmem:s26+$0x141B0];
	[tilespmem:s14+$0x141A0] =	vst v3  }
0x83: {  	v11 =	vld [tilespmem:s26+$0x141A0];
	[tilespmem:s14+$0x14180] =	vst v7  }
0x84: {  	v3 =	vmul.f32 v14, v9;
	v9 =	vmul.f32 v15, v9;
	v17 =	vld [tilespmem:s26+$0x169B0];
	[tilespmem:s14+$0x14190] =	vst v4  }
.Ltmp1:
0x85: {  	v5 =	vld [tilespmem:s26+$0x14190];
	v10 =	vmul.f32 v13, v20;
	[tilespmem:s14+$0x141D0] =	vst v8;
	(pc) =	sbr.rel @p0 .LBB2_5-.Ltmp1, $4  }
0x86: {  	v4 =	vld [tilespmem:s26+$0x169D0];
	[tilespmem:s14+$0x141C0] =	vst v6;
	s14 =	smov.u32 s26  }
0x87: {  	v6 =	vld [tilespmem:s14+$0x141C0];
	v12 =	vmul.f32 v13, v16  }
0x88: {  	v7 =	vld [tilespmem:s14+$0x16980];
	v8 =	vmul.f32 v15, v11;
	v13 =	vmul.f32 v14, v11  }
0x89: {  	v11 =	vld [tilespmem:s14+$0x14180];
	v14 =	vmul.f32 v17, v16;
	v15 =	vmul.f32 v17, v20  }
0x8a: {  	_ = 	snop  }
0x8b: {  	v16 =	vld [tilespmem:s14+$0x141D0]  }
0x8c: {  	v9 =	vadd.f32 v13, v9  }
0x8d: {  	v3 =	vsub.f32 v8, v3  }
0x8e: {  	v12 =	vadd.f32 v12, v15;
	v56 =	vmul.f32 v2, v6;
	[tilespmem:s14+$0x141E0] =	vst v9;
	v57 =	vmul.f32 v7, v11  }
0x8f: {  	v10 =	vsub.f32 v14, v10;
	[tilespmem:s14+$0x141A0] =	vst v3;
	v62 =	vmul.f32 v7, v6;
	v2 =	vmul.f32 v2, v11  }
0x90: {  	v58 =	vmul.f32 v1, v5;
	[tilespmem:s14+$0x141F0] =	vst v12;
	v59 =	vmul.f32 v4, v16;
	v61 =	vsub.f32 v57, v56  }
0x91: {  	v60 =	vmul.f32 v4, v5;
	[tilespmem:s14+$0x141B0] =	vst v10;
	v1 =	vmul.f32 v1, v16;
	v2 =	vadd.f32 v2, v62  }
0x92: {  	v63 =	vsub.f32 v58, v59;
	[tilespmem:s14+$0x14180] =	vst v61  }
0x93: {  	s12 =	sadd.s32 $0x1, s12;
	v1 =	vadd.f32 v60, v1;
	[tilespmem:s14+$0x141C0] =	vst v2  }
0x94: {  	p0 =	sne.s32 s12, $0x7D;
	[tilespmem:s14+$0x14190] =	vst v63  }
.Ltmp2:
0x95: {  	[tilespmem:s14+$0x141D0] =	vst v1;
	(pc) =	sbr.rel @p0 .LBB2_4-.Ltmp2, $4  }
0x96: {  	[spmem:s15] =	stream.indirect.scatter.add.f32 [tilespmem:s28], [sflag:$0x3], $0x80, s13, s2, $0xb8;
	[tilespmem:$0x19180] =	vst v63  }
0x97: {  	_ =	swait.ge [sflag:s29], $0x2800  }
0x98: {  	[sflag:s29] =	ssyncset.done $0x0  }
0x99: {  	[sflag:s29] =	ssyncadd.s32 $0xFFFFD800  }
0x9a: {  	[bflag:$0x0] =	sbarrier.arrive $0xFFFF  }
0x9b: {  	[tilespmem:s28], [sflag:$0x3] =	stream.linear.gather [spmem:s18], $0x2800, $0x38;
	[tilespmem:$0x19180] =	vst v63  }
0x9c: {  	_ =	swait.ge [sflag:s29], $0x2800  }
0x9d: {  	[sflag:s29] =	ssyncset.done $0x0  }
0x9e: {  	s11 =	rddreg [dreg:$0x7];
	[sflag:s29] =	ssyncadd.s32 $0xFFFFD800  }
0x9f: {  	[hbm4b:s11+s5] =	stream.linear.scatter [tilespmem:s28], [sflag:$0x3], $0x2800, $0x38;
	[tilespmem:$0x19180] =	vst v63  }
0xa0: {  	_ =	swait.ge [sflag:s29], $0x2800  }
0xa1: {  	[sflag:s29] =	ssyncset.done $0x0  }
0xa2: {  	[sflag:s29] =	ssyncadd.s32 $0xFFFFD800  }
0xa3: {  	[tilespmem:s28], [sflag:$0x3] =	stream.linear.gather [spmem:s19], $0x2800, $0x38;
	[tilespmem:$0x19180] =	vst v63  }
0xa4: {  	_ =	swait.ge [sflag:s29], $0x2800  }
0xa5: {  	[sflag:s29] =	ssyncset.done $0x0  }
0xa6: {  	s12 =	rddreg [dreg:$0x8];
	[sflag:s29] =	ssyncadd.s32 $0xFFFFD800  }
0xa7: {  	[hbm4b:s12+s5] =	stream.linear.scatter [tilespmem:s28], [sflag:$0x3], $0x2800, $0x38;
	[tilespmem:$0x19180] =	vst v63  }
0xa8: {  	_ =	swait.ge [sflag:s29], $0x2800  }
0xa9: {  	[sflag:s29] =	ssyncset.done $0x0  }
0xaa: {  	[sflag:s29] =	ssyncadd.s32 $0xFFFFD800  }
0xab: {  	[tilespmem:s28], [sflag:$0x3] =	stream.linear.gather [spmem:s20], $0x2800, $0x38;
	[tilespmem:$0x19180] =	vst v63  }
0xac: {  	_ =	swait.ge [sflag:s29], $0x2800  }
0xad: {  	[sflag:s29] =	ssyncset.done $0x0  }
0xae: {  	s14 =	rddreg [dreg:$0x9];
	[sflag:s29] =	ssyncadd.s32 $0xFFFFD800  }
0xaf: {  	[hbm4b:s14+s5] =	stream.linear.scatter [tilespmem:s28], [sflag:$0x3], $0x2800, $0x38;
	[tilespmem:$0x19180] =	vst v63  }
0xb0: {  	_ =	swait.ge [sflag:s29], $0x2800  }
0xb1: {  	[sflag:s29] =	ssyncset.done $0x0  }
0xb2: {  	[sflag:s29] =	ssyncadd.s32 $0xFFFFD800  }
0xb3: {  	[tilespmem:s28], [sflag:$0x3] =	stream.linear.gather [spmem:s21], $0x2800, $0x38;
	[tilespmem:$0x19180] =	vst v63  }
0xb4: {  	_ =	swait.ge [sflag:s29], $0x2800  }
0xb5: {  	[sflag:s29] =	ssyncset.done $0x0  }
0xb6: {  	s16 =	rddreg [dreg:$0xa];
	[sflag:s29] =	ssyncadd.s32 $0xFFFFD800  }
0xb7: {  	[hbm4b:s16+s5] =	stream.linear.scatter [tilespmem:s28], [sflag:$0x3], $0x2800, $0x38;
	[tilespmem:$0x19180] =	vst v63  }
0xb8: {  	_ =	swait.ge [sflag:s29], $0x2800  }
0xb9: {  	[sflag:s29] =	ssyncset.done $0x0  }
0xba: {  	[sflag:s29] =	ssyncadd.s32 $0xFFFFD800  }
0xbb: {  	[tilespmem:s28], [sflag:$0x3] =	stream.linear.gather [spmem:s22], $0x2800, $0x38;
	[tilespmem:$0x19180] =	vst v63  }
0xbc: {  	_ =	swait.ge [sflag:s29], $0x2800  }
0xbd: {  	[sflag:s29] =	ssyncset.done $0x0  }
0xbe: {  	s26 =	rddreg [dreg:$0xb];
	[sflag:s29] =	ssyncadd.s32 $0xFFFFD800  }
0xbf: {  	[hbm4b:s26+s5] =	stream.linear.scatter [tilespmem:s28], [sflag:$0x3], $0x2800, $0x38;
	[tilespmem:$0x19180] =	vst v63  }
0xc0: {  	_ =	swait.ge [sflag:s29], $0x2800  }
0xc1: {  	[sflag:s29] =	ssyncset.done $0x0  }
0xc2: {  	[sflag:s29] =	ssyncadd.s32 $0xFFFFD800  }
0xc3: {  	[tilespmem:s28], [sflag:$0x3] =	stream.linear.gather [spmem:s23], $0x2800, $0x38;
	[tilespmem:$0x19180] =	vst v63  }
0xc4: {  	_ =	swait.ge [sflag:s29], $0x2800  }
0xc5: {  	[sflag:s29] =	ssyncset.done $0x0  }
0xc6: {  	s12 =	rddreg [dreg:$0xc];
	[sflag:s29] =	ssyncadd.s32 $0xFFFFD800  }
0xc7: {  	[hbm4b:s12+s5] =	stream.linear.scatter [tilespmem:s28], [sflag:$0x3], $0x2800, $0x38;
	[tilespmem:$0x19180] =	vst v63  }
0xc8: {  	_ =	swait.ge [sflag:s29], $0x2800  }
0xc9: {  	[sflag:s29] =	ssyncset.done $0x0  }
0xca: {  	[sflag:s29] =	ssyncadd.s32 $0xFFFFD800  }
0xcb: {  	[tilespmem:s28], [sflag:$0x3] =	stream.linear.gather [spmem:s24], $0x2800, $0x38;
	[tilespmem:$0x19180] =	vst v63  }
0xcc: {  	_ =	swait.ge [sflag:s29], $0x2800  }
0xcd: {  	[sflag:s29] =	ssyncset.done $0x0  }
0xce: {  	s14 =	rddreg [dreg:$0xd];
	[sflag:s29] =	ssyncadd.s32 $0xFFFFD800  }
0xcf: {  	[hbm4b:s14+s5] =	stream.linear.scatter [tilespmem:s28], [sflag:$0x3], $0x2800, $0x38;
	[tilespmem:$0x19180] =	vst v63  }
0xd0: {  	_ =	swait.ge [sflag:s29], $0x2800  }
0xd1: {  	[sflag:s29] =	ssyncset.done $0x0  }
0xd2: {  	[sflag:s29] =	ssyncadd.s32 $0xFFFFD800  }
0xd3: {  	[tilespmem:s28], [sflag:$0x3] =	stream.linear.gather [spmem:s25], $0x2800, $0x38;
	[tilespmem:$0x19180] =	vst v63  }
0xd4: {  	_ =	swait.ge [sflag:s29], $0x2800  }
0xd5: {  	[sflag:s29] =	ssyncset.done $0x0  }
0xd6: {  	s16 =	rddreg [dreg:$0xe];
	[sflag:s29] =	ssyncadd.s32 $0xFFFFD800  }
0xd7: {  	[hbm4b:s16+s5] =	stream.linear.scatter [tilespmem:s28], [sflag:$0x3], $0x2800, $0x38;
	[tilespmem:$0x19180] =	vst v63  }
0xd8: {  	_ =	swait.ge [sflag:s29], $0x2800  }
0xd9: {  	s10 =	sadd.s32 $0x1, s10;
	s26 =	rddreg [dreg:$0xf]  }
0xda: {  	p0 =	sne.s32 s10, s26  }
.Ltmp3:
0xdb: {  	_ = 	snop;
	(pc) =	sbr.rel @p0 .LBB2_1-.Ltmp3, $3  }
0xdc: {  	_ =	sdelay $0x1  }
0xdd: {  	[sflag:s29] =	ssyncset.done $0x0  }
0xde: {  	[sflag:s29] =	ssyncadd.s32 $0xFFFFD800  }
0xdf: {  	_ =	sfence.sel $0x180000  }
0xe0: {  	[bflag:$0x0] =	sbarrier.arrive $0xFFFF  }
0xe1: {  	_ =	strace $0x90000047  }
0xe2: {  	s0 =	stileid.u32;
	[bflag:$0x2] =	sbarrier.arrive $0xFFFF  }
0xe3: {  	p0 =	sne.s32 s0, $0x0;
	s0 =	rddreg [dreg:$0x6]  }
0xe4: {  	s0 =	sadd.s32 @!p0 $0x100000, s0  }
0xe5: {  	[sflag:s0] =	ssyncadd.tile.s32 @!p0 $0x1;
	_ =	shalt  }
.Lfunc_end2:
_tile_overlayer_lowered:
.L_overlay_start_2:
0xe6: {  	(tag) =	ssettag $0x2  }
0xe7: {  	s0 =	rddreg [dreg:$0x0];
	s2 =	stileid.u32  }
0xe8: {  	s1 =	rddreg [dreg:$0x1];
	p0 =	sne.s32 s2, $0x0  }
0xe9: {  	s3 =	rddreg [dreg:$0x2];
	[bflag:$0x3] =	sbarrier.arrive $0xFFFF;
	s2 =	simm.s32 @!p0 $0x1C03  }
0xea: {  	[timem:s3], [sflag:s2] =	dma.local @!p0 [hbm:s0], s1  }
0xeb: {  	s0 =	simm.s32 @!p0 $0x3  }
0xec: {  	_ =	swait.ge @!p0 [sflag:s0], s1  }
0xed: {  	s1 =	ssub.s32 @!p0 $0x0, s1;
	[sflag:s0] =	ssyncset.done @!p0 $0x0  }
0xee: {  	[sflag:s0] =	ssyncadd.s32 @!p0 s1  }
0xef: {  	[bflag:$0x3] =	sbarrier.arrive $0xFFFF  }
0xf0: {  	_ =	shalt  }

</sc_bundles>
